<compile_context>
chip_gen: v7x
topology: tpu7x:2x2x1
jax: 0.10.2.dev20260603
libtpu: 0.0.44.dev20260713+nightly
codegen_flags: <defaults>
</compile_context>

<pallas_src>
import jax
import jax.numpy as jnp
from jax import lax
from jax.experimental import pallas as pl
from jax.experimental.pallas import tpu as pltpu
from jax.experimental.pallas import tpu_sc as plsc

M = 4096
D = 256
L = 16
NC = 2
NS = 16
NW = NC * NS
RPW = M // NW
CH = 16
NCH = RPW // CH
PAIRS = NCH // 2


def _som_update(x_hbm, emb_hbm, adj_hbm, pi_hbm, pf_hbm, out_hbm,
                x_v, pi_v, pf_v, wrow_v, buf_a, buf_b,
                sem_g, sem_ai, sem_bi, sem_ao, sem_bo):
    wid = lax.axis_index("s") * NC + lax.axis_index("c")
    base = wid * RPW
    pltpu.sync_copy(pi_hbm, pi_v)
    gat = pltpu.async_copy(adj_hbm.at[pi_v.at[pl.ds(0, 1)]], wrow_v, sem_g)
    pltpu.sync_copy(pf_hbm, pf_v)
    pltpu.sync_copy(x_hbm, x_v)
    pltpu.async_copy(emb_hbm.at[pl.ds(base, CH)], buf_a, sem_ai)
    pltpu.async_copy(emb_hbm.at[pl.ds(base + CH, CH)], buf_b, sem_bi)
    idxv = pi_v[pl.ds(0, L)]
    lrv = pf_v[pl.ds(0, L)]
    gat.wait()
    xs = [x_v[pl.ds(k * L, L)] for k in range(D // L)]

    def process(buf, r0):
        w16 = wrow_v[0, pl.ds(r0, L)]
        rows = r0 + lax.broadcasted_iota(jnp.int32, (L,), 0)
        c16 = lrv * jnp.where(rows == idxv, jnp.float32(1.0),
                              jnp.where(w16 > jnp.float32(0.0), w16,
                                        jnp.float32(0.0)))
        def row_body(t, carry):
            cb = lax.gather(
                c16, jnp.full((L, 1), t, jnp.int32),
                lax.GatherDimensionNumbers(offset_dims=(),
                                           collapsed_slice_dims=(0,),
                                           start_index_map=(0,)),
                (1,), mode=lax.GatherScatterMode.PROMISE_IN_BOUNDS)
            for k in range(D // L):
                e = buf[t, pl.ds(k * L, L)]
                buf[t, pl.ds(k * L, L)] = e + cb * (xs[k] - e)
            return carry

        lax.fori_loop(0, L, row_body, 0)

    def pair(it, carry):
        a0 = base + (2 * it) * CH
        b0 = a0 + CH
        pltpu.make_async_copy(emb_hbm.at[pl.ds(a0, CH)], buf_a, sem_ai).wait()
        process(buf_a, a0)
        pltpu.async_copy(buf_a, out_hbm.at[pl.ds(a0, CH)], sem_ao)
        pltpu.make_async_copy(emb_hbm.at[pl.ds(b0, CH)], buf_b, sem_bi).wait()
        process(buf_b, b0)
        pltpu.async_copy(buf_b, out_hbm.at[pl.ds(b0, CH)], sem_bo)

        @pl.when(it < PAIRS - 1)
        def _refill():
            pltpu.make_async_copy(buf_a, out_hbm.at[pl.ds(a0, CH)],
                                  sem_ao).wait()
            pltpu.async_copy(emb_hbm.at[pl.ds(a0 + 2 * CH, CH)], buf_a, sem_ai)
            pltpu.make_async_copy(buf_b, out_hbm.at[pl.ds(b0, CH)],
                                  sem_bo).wait()
            pltpu.async_copy(emb_hbm.at[pl.ds(b0 + 2 * CH, CH)], buf_b, sem_bi)

        return carry

    lax.fori_loop(0, PAIRS, pair, 0)
    last_a = base + (NCH - 2) * CH
    last_b = base + (NCH - 1) * CH
    pltpu.make_async_copy(buf_a, out_hbm.at[pl.ds(last_a, CH)], sem_ao).wait()
    pltpu.make_async_copy(buf_b, out_hbm.at[pl.ds(last_b, CH)], sem_bo).wait()


def kernel(x, embedding_to_map, embedding_to_map_adj, iter, idx, max_iter):
    lr = jnp.float32(0.1) * (jnp.float32(1.0)
                             - jnp.float32(iter) / jnp.float32(max_iter))
    idx32 = jnp.asarray(idx, jnp.int32)
    p_idx = jnp.full((L,), idx32, jnp.int32)
    p_lr = jnp.full((L,), lr, jnp.float32)
    mesh = plsc.VectorSubcoreMesh(core_axis_name="c", subcore_axis_name="s")
    som = pl.kernel(
        _som_update,
        out_type=jax.ShapeDtypeStruct((M, D), jnp.float32),
        mesh=mesh,
        scratch_types=[
            pltpu.VMEM((D,), jnp.float32),
            pltpu.VMEM((L,), jnp.int32),
            pltpu.VMEM((L,), jnp.float32),
            pltpu.VMEM((1, M), jnp.float32),
            pltpu.VMEM((CH, D), jnp.float32),
            pltpu.VMEM((CH, D), jnp.float32),
            pltpu.SemaphoreType.DMA,
            pltpu.SemaphoreType.DMA,
            pltpu.SemaphoreType.DMA,
            pltpu.SemaphoreType.DMA,
            pltpu.SemaphoreType.DMA,
        ],
    )
    return som(x, embedding_to_map, embedding_to_map_adj, p_idx, p_lr)

# --- scband reference (transcript-rebuilt; emitter-appended) ---
"""Pipeline reference for scband-som-31396210933943 (READ-ONLY COPY).

The authoritative reference and input builder live on the scoring server;
editing this copy changes nothing except your own understanding.
"""

import jax, jax.numpy as jnp
import numpy as np


def setup_inputs(seed: int = 0) -> dict:
    key = jax.random.key(seed)
    k1, k2, k3 = jax.random.split(key, 3)
    M, d = 4096, 256
    return {
        "x": jax.random.normal(k1, (d,), dtype=jnp.float32),
        "embedding_to_map": jax.random.normal(k2, (M, d), dtype=jnp.float32),
        "embedding_to_map_adj": jax.random.uniform(k3, (M, M), dtype=jnp.float32),
        "iter": 100,
        "idx": 1234,
        "max_iter": 10000,
    }


def reference(x, embedding_to_map, embedding_to_map_adj, iter, idx, max_iter):
    # SOM.update_weights: winner update + neighbor updates.
    base_lr = 0.1
    lr = base_lr * (1.0 - iter / max_iter)
    emb = embedding_to_map
    # Winner (BMU) update: gather row idx, scatter-add back
    direction = x - emb[idx]
    emb = emb.at[idx].add(lr * direction)
    # Neighbor updates. In the torch loop each neighbor row is updated
    # independently (reads only its own row of the post-winner-update emb),
    # and row idx is skipped, so it vectorizes exactly.
    w = embedding_to_map_adj[idx]
    M = emb.shape[0]
    mask = (w > 0) & (jnp.arange(M) != idx)
    upd = lr * w[:, None] * (x[None, :] - emb)
    emb = emb + jnp.where(mask[:, None], upd, jnp.zeros_like(upd))
    return emb

if __name__ == "__main__":
    import jax
    _d = setup_inputs()
    print(jax.jit(kernel)(*tuple(_d.values())))

</pallas_src>

<mosaic_0001>
#map = affine_map<(d0, d1) -> (0)>
#map1 = affine_map<(d0, d1) -> (0, 0)>
module attributes {stable_mosaic.version = 14 : i64} {
  func.func @_som_update(%arg0: i32, %arg1: i32, %arg2: memref<256xf32, #tpu.memory_space<hbm>>, %arg3: memref<4096x256xf32, #tpu.memory_space<hbm>>, %arg4: memref<4096x4096xf32, #tpu.memory_space<hbm>>, %arg5: memref<16xi32, #tpu.memory_space<hbm>>, %arg6: memref<16xf32, #tpu.memory_space<hbm>>, %arg7: memref<4096x256xf32, #tpu.memory_space<hbm>>, %arg8: memref<256xf32, #tpu.memory_space<vmem>>, %arg9: memref<16xi32, #tpu.memory_space<vmem>>, %arg10: memref<16xf32, #tpu.memory_space<vmem>>, %arg11: memref<1x4096xf32, #tpu.memory_space<vmem>>, %arg12: memref<16x256xf32, #tpu.memory_space<vmem>>, %arg13: memref<16x256xf32, #tpu.memory_space<vmem>>, %arg14: memref<!tpu.dma_semaphore, #tpu.memory_space<semaphore_mem>>, %arg15: memref<!tpu.dma_semaphore, #tpu.memory_space<semaphore_mem>>, %arg16: memref<!tpu.dma_semaphore, #tpu.memory_space<semaphore_mem>>, %arg17: memref<!tpu.dma_semaphore, #tpu.memory_space<semaphore_mem>>, %arg18: memref<!tpu.dma_semaphore, #tpu.memory_space<semaphore_mem>>) attributes {dimension_semantics = [#tpu.dimension_semantics<core_parallel>, #tpu.dimension_semantics<subcore_parallel>], iteration_bounds = array<i64: 2, 16>, scalar_prefetch = 0 : i64, scratch_operands = 11 : i64, tpu.core_type = #tpu.core_type<sc_vector_subcore>, window_params = [{transform_indices = #map}, {transform_indices = #map1}, {transform_indices = #map1}, {transform_indices = #map}, {transform_indices = #map}, {transform_indices = #map1}]} {
    %mul3A = arith.constant 2 : i32
    %mul3A_0 = arith.muli %arg1, %mul3A : i32
    %add3A = arith.addi %mul3A_0, %arg0 : i32
    %mul3A_1 = arith.constant 128 : i32
    %mul3A_2 = arith.muli %add3A, %mul3A_1 : i32
    "tpu.region"() ({
      %run_scoped3A = tpu.sem_alloc : memref<!tpu.dma_semaphore, #tpu.memory_space<semaphore_mem>>
      tpu.enqueue_dma source(%arg5 : memref<16xi32, #tpu.memory_space<hbm>>) target(%arg9 : memref<16xi32, #tpu.memory_space<vmem>>) target_semaphore(%run_scoped3A : memref<!tpu.dma_semaphore, #tpu.memory_space<semaphore_mem>>)
      tpu.wait_dma2 semaphore(%run_scoped3A : memref<!tpu.dma_semaphore, #tpu.memory_space<semaphore_mem>>) src(%arg5 : memref<16xi32, #tpu.memory_space<hbm>>) dst(%arg9 : memref<16xi32, #tpu.memory_space<vmem>>)
      tpu.yield
    }) : () -> ()
    %dma_start3A = arith.constant 0 : i32
    %dma_start3A_3 = tpu.memref_slice %arg9[%dma_start3A] : memref<16xi32, #tpu.memory_space<vmem>> -> memref<1xi32, #tpu.memory_space<vmem>>
    %dma_start3A_4 = arith.constant 0 : i32
    %dma_start3A_5 = arith.constant 0 : i32
    %dma_start3A_6 = tpu.memref_slice %arg4[%dma_start3A_4, %dma_start3A_5] : memref<4096x4096xf32, #tpu.memory_space<hbm>> -> memref<4096x4096xf32, #tpu.memory_space<hbm>>
    tpu.enqueue_indirect_dma source(%dma_start3A_6 : memref<4096x4096xf32, #tpu.memory_space<hbm>>) target(%arg11 : memref<1x4096xf32, #tpu.memory_space<vmem>>) offsets(%dma_start3A_3 : memref<1xi32, #tpu.memory_space<vmem>>) semaphore(%arg14 : memref<!tpu.dma_semaphore, #tpu.memory_space<semaphore_mem>>)
    "tpu.region"() ({
      %run_scoped3A = tpu.sem_alloc : memref<!tpu.dma_semaphore, #tpu.memory_space<semaphore_mem>>
      tpu.enqueue_dma source(%arg6 : memref<16xf32, #tpu.memory_space<hbm>>) target(%arg10 : memref<16xf32, #tpu.memory_space<vmem>>) target_semaphore(%run_scoped3A : memref<!tpu.dma_semaphore, #tpu.memory_space<semaphore_mem>>)
      tpu.wait_dma2 semaphore(%run_scoped3A : memref<!tpu.dma_semaphore, #tpu.memory_space<semaphore_mem>>) src(%arg6 : memref<16xf32, #tpu.memory_space<hbm>>) dst(%arg10 : memref<16xf32, #tpu.memory_space<vmem>>)
      tpu.yield
    }) : () -> ()
    "tpu.region"() ({
      %run_scoped3A = tpu.sem_alloc : memref<!tpu.dma_semaphore, #tpu.memory_space<semaphore_mem>>
      tpu.enqueue_dma source(%arg2 : memref<256xf32, #tpu.memory_space<hbm>>) target(%arg8 : memref<256xf32, #tpu.memory_space<vmem>>) target_semaphore(%run_scoped3A : memref<!tpu.dma_semaphore, #tpu.memory_space<semaphore_mem>>)
      tpu.wait_dma2 semaphore(%run_scoped3A : memref<!tpu.dma_semaphore, #tpu.memory_space<semaphore_mem>>) src(%arg2 : memref<256xf32, #tpu.memory_space<hbm>>) dst(%arg8 : memref<256xf32, #tpu.memory_space<vmem>>)
      tpu.yield
    }) : () -> ()
    %dma_start3A_7 = arith.constant 0 : i32
    %dma_start3A_8 = tpu.memref_slice %arg3[%mul3A_2, %dma_start3A_7] : memref<4096x256xf32, #tpu.memory_space<hbm>> -> memref<16x256xf32, #tpu.memory_space<hbm>>
    %dma_start3A_9 = arith.constant 0 : i32
    %dma_start3A_10 = tpu.memref_slice %arg3[%mul3A_2, %dma_start3A_9] : memref<4096x256xf32, #tpu.memory_space<hbm>> -> memref<16x256xf32, #tpu.memory_space<hbm>>
    tpu.enqueue_dma source(%dma_start3A_10 : memref<16x256xf32, #tpu.memory_space<hbm>>) target(%arg12 : memref<16x256xf32, #tpu.memory_space<vmem>>) target_semaphore(%arg15 : memref<!tpu.dma_semaphore, #tpu.memory_space<semaphore_mem>>)
    %add3A_11 = arith.constant 16 : i32
    %add3A_12 = arith.addi %mul3A_2, %add3A_11 : i32
    %dma_start3A_13 = arith.constant 0 : i32
    %dma_start3A_14 = tpu.memref_slice %arg3[%add3A_12, %dma_start3A_13] : memref<4096x256xf32, #tpu.memory_space<hbm>> -> memref<16x256xf32, #tpu.memory_space<hbm>>
    %dma_start3A_15 = arith.constant 0 : i32
    %dma_start3A_16 = tpu.memref_slice %arg3[%add3A_12, %dma_start3A_15] : memref<4096x256xf32, #tpu.memory_space<hbm>> -> memref<16x256xf32, #tpu.memory_space<hbm>>
    tpu.enqueue_dma source(%dma_start3A_16 : memref<16x256xf32, #tpu.memory_space<hbm>>) target(%arg13 : memref<16x256xf32, #tpu.memory_space<vmem>>) target_semaphore(%arg16 : memref<!tpu.dma_semaphore, #tpu.memory_space<semaphore_mem>>)
    %get3A = arith.constant 0 : index
    %get3A_17 = tpu.vector_load %arg9[%get3A] {strides = array<i32>} : memref<16xi32, #tpu.memory_space<vmem>>, vector<16xi32>,
    %get3A_18 = vector.shape_cast %get3A_17 : vector<16xi32> to vector<16xi32>
    %get3A_19 = arith.constant 0 : index
    %get3A_20 = tpu.vector_load %arg10[%get3A_19] {strides = array<i32>} : memref<16xf32, #tpu.memory_space<vmem>>, vector<16xf32>,
    %get3A_21 = vector.shape_cast %get3A_20 : vector<16xf32> to vector<16xf32>
    %dma_wait3A = arith.constant 0 : i32
    %dma_wait3A_22 = tpu.memref_slice %arg9[%dma_wait3A] : memref<16xi32, #tpu.memory_space<vmem>> -> memref<1xi32, #tpu.memory_space<vmem>>
    %dma_wait3A_23 = arith.constant 0 : i32
    %dma_wait3A_24 = arith.constant 0 : i32
    %dma_wait3A_25 = tpu.memref_slice %arg4[%dma_wait3A_23, %dma_wait3A_24] : memref<4096x4096xf32, #tpu.memory_space<hbm>> -> memref<4096x4096xf32, #tpu.memory_space<hbm>>
    tpu.wait_indirect_dma semaphore(%arg14 : memref<!tpu.dma_semaphore, #tpu.memory_space<semaphore_mem>>) src(%dma_wait3A_25 : memref<4096x4096xf32, #tpu.memory_space<hbm>>) dst(%arg11 : memref<1x4096xf32, #tpu.memory_space<vmem>>)
    %get3A_26 = arith.constant 0 : index
    %get3A_27 = tpu.vector_load %arg8[%get3A_26] {strides = array<i32>} : memref<256xf32, #tpu.memory_space<vmem>>, vector<16xf32>,
    %get3A_28 = vector.shape_cast %get3A_27 : vector<16xf32> to vector<16xf32>
    %get3A_29 = arith.constant 16 : index
    %get3A_30 = tpu.vector_load %arg8[%get3A_29] {strides = array<i32>} : memref<256xf32, #tpu.memory_space<vmem>>, vector<16xf32>,
    %get3A_31 = vector.shape_cast %get3A_30 : vector<16xf32> to vector<16xf32>
    %get3A_32 = arith.constant 32 : index
    %get3A_33 = tpu.vector_load %arg8[%get3A_32] {strides = array<i32>} : memref<256xf32, #tpu.memory_space<vmem>>, vector<16xf32>,
    %get3A_34 = vector.shape_cast %get3A_33 : vector<16xf32> to vector<16xf32>
    %get3A_35 = arith.constant 48 : index
    %get3A_36 = tpu.vector_load %arg8[%get3A_35] {strides = array<i32>} : memref<256xf32, #tpu.memory_space<vmem>>, vector<16xf32>,
    %get3A_37 = vector.shape_cast %get3A_36 : vector<16xf32> to vector<16xf32>
    %get3A_38 = arith.constant 64 : index
    %get3A_39 = tpu.vector_load %arg8[%get3A_38] {strides = array<i32>} : memref<256xf32, #tpu.memory_space<vmem>>, vector<16xf32>,
    %get3A_40 = vector.shape_cast %get3A_39 : vector<16xf32> to vector<16xf32>
    %get3A_41 = arith.constant 80 : index
    %get3A_42 = tpu.vector_load %arg8[%get3A_41] {strides = array<i32>} : memref<256xf32, #tpu.memory_space<vmem>>, vector<16xf32>,
    %get3A_43 = vector.shape_cast %get3A_42 : vector<16xf32> to vector<16xf32>
    %get3A_44 = arith.constant 96 : index
    %get3A_45 = tpu.vector_load %arg8[%get3A_44] {strides = array<i32>} : memref<256xf32, #tpu.memory_space<vmem>>, vector<16xf32>,
    %get3A_46 = vector.shape_cast %get3A_45 : vector<16xf32> to vector<16xf32>
    %get3A_47 = arith.constant 112 : index
    %get3A_48 = tpu.vector_load %arg8[%get3A_47] {strides = array<i32>} : memref<256xf32, #tpu.memory_space<vmem>>, vector<16xf32>,
    %get3A_49 = vector.shape_cast %get3A_48 : vector<16xf32> to vector<16xf32>
    %get3A_50 = arith.constant 128 : index
    %get3A_51 = tpu.vector_load %arg8[%get3A_50] {strides = array<i32>} : memref<256xf32, #tpu.memory_space<vmem>>, vector<16xf32>,
    %get3A_52 = vector.shape_cast %get3A_51 : vector<16xf32> to vector<16xf32>
    %get3A_53 = arith.constant 144 : index
    %get3A_54 = tpu.vector_load %arg8[%get3A_53] {strides = array<i32>} : memref<256xf32, #tpu.memory_space<vmem>>, vector<16xf32>,
    %get3A_55 = vector.shape_cast %get3A_54 : vector<16xf32> to vector<16xf32>
    %get3A_56 = arith.constant 160 : index
    %get3A_57 = tpu.vector_load %arg8[%get3A_56] {strides = array<i32>} : memref<256xf32, #tpu.memory_space<vmem>>, vector<16xf32>,
    %get3A_58 = vector.shape_cast %get3A_57 : vector<16xf32> to vector<16xf32>
    %get3A_59 = arith.constant 176 : index
    %get3A_60 = tpu.vector_load %arg8[%get3A_59] {strides = array<i32>} : memref<256xf32, #tpu.memory_space<vmem>>, vector<16xf32>,
    %get3A_61 = vector.shape_cast %get3A_60 : vector<16xf32> to vector<16xf32>
    %get3A_62 = arith.constant 192 : index
    %get3A_63 = tpu.vector_load %arg8[%get3A_62] {strides = array<i32>} : memref<256xf32, #tpu.memory_space<vmem>>, vector<16xf32>,
    %get3A_64 = vector.shape_cast %get3A_63 : vector<16xf32> to vector<16xf32>
    %get3A_65 = arith.constant 208 : index
    %get3A_66 = tpu.vector_load %arg8[%get3A_65] {strides = array<i32>} : memref<256xf32, #tpu.memory_space<vmem>>, vector<16xf32>,
    %get3A_67 = vector.shape_cast %get3A_66 : vector<16xf32> to vector<16xf32>
    %get3A_68 = arith.constant 224 : index
    %get3A_69 = tpu.vector_load %arg8[%get3A_68] {strides = array<i32>} : memref<256xf32, #tpu.memory_space<vmem>>, vector<16xf32>,
    %get3A_70 = vector.shape_cast %get3A_69 : vector<16xf32> to vector<16xf32>
    %get3A_71 = arith.constant 240 : index
    %get3A_72 = tpu.vector_load %arg8[%get3A_71] {strides = array<i32>} : memref<256xf32, #tpu.memory_space<vmem>>, vector<16xf32>,
    %get3A_73 = vector.shape_cast %get3A_72 : vector<16xf32> to vector<16xf32>
    %scan3A = arith.constant 0 : i32
    %scan3A_74 = arith.constant 0 : i32
    %scan3A_75 = arith.constant 4 : i32
    %scan3A_76 = arith.addi %scan3A_74, %scan3A_75 : i32
    %scan3A_77 = arith.constant 1 : i32
    scf.for %scan3A_91 = %scan3A_74 to %scan3A_76 step %scan3A_77  : i32 {
      %mul3A_92 = arith.constant 2 : i32
      %mul3A_93 = arith.muli %mul3A_92, %scan3A_91 : i32
      %mul3A_94 = arith.constant 16 : i32
      %mul3A_95 = arith.muli %mul3A_93, %mul3A_94 : i32
      %add3A_96 = arith.addi %mul3A_2, %mul3A_95 : i32
      %add3A_97 = arith.constant 16 : i32
      %add3A_98 = arith.addi %add3A_96, %add3A_97 : i32
      %dma_wait3A_99 = arith.constant 0 : i32
      %dma_wait3A_100 = tpu.memref_slice %arg3[%add3A_96, %dma_wait3A_99] : memref<4096x256xf32, #tpu.memory_space<hbm>> -> memref<16x256xf32, #tpu.memory_space<hbm>>
      %dma_wait3A_101 = arith.constant 0 : i32
      %dma_wait3A_102 = tpu.memref_slice %arg3[%add3A_96, %dma_wait3A_101] : memref<4096x256xf32, #tpu.memory_space<hbm>> -> memref<16x256xf32, #tpu.memory_space<hbm>>
      tpu.wait_dma2 semaphore(%arg15 : memref<!tpu.dma_semaphore, #tpu.memory_space<semaphore_mem>>) src(%dma_wait3A_102 : memref<16x256xf32, #tpu.memory_space<hbm>>) dst(%arg12 : memref<16x256xf32, #tpu.memory_space<vmem>>)
      %get3A_103 = arith.constant 0 : i32
      %get3A_104 = arith.index_cast %get3A_103 : i32 to index
      %get3A_105 = arith.index_cast %add3A_96 : i32 to index
      %get3A_106 = tpu.vector_load %arg11[%get3A_104, %get3A_105] {strides = array<i32>} : memref<1x4096xf32, #tpu.memory_space<vmem>>, vector<1x16xf32>,
      %get3A_107 = vector.shape_cast %get3A_106 : vector<1x16xf32> to vector<16xf32>
      %iota3A = tpu.iota {dimensions = array<i32: 0>} : vector<16xi32>
      %add3A_108 = vector.broadcast %add3A_96 : i32 to vector<16xi32>
      %add3A_109 = arith.addi %add3A_108, %iota3A : vector<16xi32>
      %eq3A = arith.cmpi eq, %add3A_109, %get3A_18 : vector<16xi32>
      %gt3A = arith.constant 0.000000e+00 : f32
      %gt3A_110 = vector.broadcast %gt3A : f32 to vector<16xf32>
      %gt3A_111 = arith.cmpf ogt, %get3A_107, %gt3A_110 : vector<16xf32>
      %jit3A = arith.constant 0.000000e+00 : f32
      %broadcast_in_dim3A = vector.broadcast %jit3A : f32 to vector<16xf32>
      %select_n3A = arith.select %gt3A_111, %get3A_107, %broadcast_in_dim3A : vector<16xi1>, vector<16xf32>
      %jit3A_112 = arith.constant 1.000000e+00 : f32
      %broadcast_in_dim3A_113 = vector.broadcast %jit3A_112 : f32 to vector<16xf32>
      %select_n3A_114 = arith.select %eq3A, %broadcast_in_dim3A_113, %select_n3A : vector<16xi1>, vector<16xf32>
      %mul3A_115 = arith.mulf %get3A_21, %select_n3A_114 : vector<16xf32>
      %scan3A_116 = arith.constant 0 : i32
      %scan3A_117 = arith.constant 0 : i32
      %scan3A_118 = arith.constant 16 : i32
      %scan3A_119 = arith.addi %scan3A_117, %scan3A_118 : i32
      %scan3A_120 = arith.constant 1 : i32
      scf.for %scan3A_161 = %scan3A_117 to %scan3A_119 step %scan3A_120  : i32 {
        %broadcast_in_dim3A_162 = vector.broadcast %scan3A_161 : i32 to vector<16x1xi32>
        %gather3A = vector.shape_cast %broadcast_in_dim3A_162 : vector<16x1xi32> to vector<16xi32>
        %gather3A_163 = tpu.dynamic_gather %mul3A_115[%gather3A] in [0] : vector<16xf32>, vector<16xi32> -> vector<16xf32>
        %get3A_164 = arith.index_cast %scan3A_161 : i32 to index
        %get3A_165 = arith.constant 0 : index
        %get3A_166 = tpu.vector_load %arg12[%get3A_164, %get3A_165] {strides = array<i32>} : memref<16x256xf32, #tpu.memory_space<vmem>>, vector<1x16xf32>,
        %get3A_167 = vector.shape_cast %get3A_166 : vector<1x16xf32> to vector<16xf32>
        %sub3A = arith.subf %get3A_28, %get3A_167 : vector<16xf32>
        %mul3A_168 = arith.mulf %gather3A_163, %sub3A : vector<16xf32>
        %add3A_169 = arith.addf %get3A_167, %mul3A_168 : vector<16xf32>
        %swap3A = arith.index_cast %scan3A_161 : i32 to index
        %swap3A_170 = arith.constant 0 : index
        %swap3A_171 = tpu.vector_load %arg12[%swap3A, %swap3A_170] {strides = array<i32>} : memref<16x256xf32, #tpu.memory_space<vmem>>, vector<1x16xf32>,
        %swap3A_172 = vector.shape_cast %swap3A_171 : vector<1x16xf32> to vector<16xf32>
        %swap3A_173 = vector.shape_cast %add3A_169 : vector<16xf32> to vector<1x16xf32>
        tpu.vector_store %arg12[%swap3A, %swap3A_170], %swap3A_173 {strides = array<i32>} : memref<16x256xf32, #tpu.memory_space<vmem>>, vector<1x16xf32>,
        %get3A_174 = arith.index_cast %scan3A_161 : i32 to index
        %get3A_175 = arith.constant 16 : index
        %get3A_176 = tpu.vector_load %arg12[%get3A_174, %get3A_175] {strides = array<i32>} : memref<16x256xf32, #tpu.memory_space<vmem>>, vector<1x16xf32>,
        %get3A_177 = vector.shape_cast %get3A_176 : vector<1x16xf32> to vector<16xf32>
        %sub3A_178 = arith.subf %get3A_31, %get3A_177 : vector<16xf32>
        %mul3A_179 = arith.mulf %gather3A_163, %sub3A_178 : vector<16xf32>
        %add3A_180 = arith.addf %get3A_177, %mul3A_179 : vector<16xf32>
        %swap3A_181 = arith.index_cast %scan3A_161 : i32 to index
        %swap3A_182 = arith.constant 16 : index
        %swap3A_183 = tpu.vector_load %arg12[%swap3A_181, %swap3A_182] {strides = array<i32>} : memref<16x256xf32, #tpu.memory_space<vmem>>, vector<1x16xf32>,
        %swap3A_184 = vector.shape_cast %swap3A_183 : vector<1x16xf32> to vector<16xf32>
        %swap3A_185 = vector.shape_cast %add3A_180 : vector<16xf32> to vector<1x16xf32>
        tpu.vector_store %arg12[%swap3A_181, %swap3A_182], %swap3A_185 {strides = array<i32>} : memref<16x256xf32, #tpu.memory_space<vmem>>, vector<1x16xf32>,
        %get3A_186 = arith.index_cast %scan3A_161 : i32 to index
        %get3A_187 = arith.constant 32 : index
        %get3A_188 = tpu.vector_load %arg12[%get3A_186, %get3A_187] {strides = array<i32>} : memref<16x256xf32, #tpu.memory_space<vmem>>, vector<1x16xf32>,
        %get3A_189 = vector.shape_cast %get3A_188 : vector<1x16xf32> to vector<16xf32>
        %sub3A_190 = arith.subf %get3A_34, %get3A_189 : vector<16xf32>
        %mul3A_191 = arith.mulf %gather3A_163, %sub3A_190 : vector<16xf32>
        %add3A_192 = arith.addf %get3A_189, %mul3A_191 : vector<16xf32>
        %swap3A_193 = arith.index_cast %scan3A_161 : i32 to index
        %swap3A_194 = arith.constant 32 : index
        %swap3A_195 = tpu.vector_load %arg12[%swap3A_193, %swap3A_194] {strides = array<i32>} : memref<16x256xf32, #tpu.memory_space<vmem>>, vector<1x16xf32>,
        %swap3A_196 = vector.shape_cast %swap3A_195 : vector<1x16xf32> to vector<16xf32>
        %swap3A_197 = vector.shape_cast %add3A_192 : vector<16xf32> to vector<1x16xf32>
        tpu.vector_store %arg12[%swap3A_193, %swap3A_194], %swap3A_197 {strides = array<i32>} : memref<16x256xf32, #tpu.memory_space<vmem>>, vector<1x16xf32>,
        %get3A_198 = arith.index_cast %scan3A_161 : i32 to index
        %get3A_199 = arith.constant 48 : index
        %get3A_200 = tpu.vector_load %arg12[%get3A_198, %get3A_199] {strides = array<i32>} : memref<16x256xf32, #tpu.memory_space<vmem>>, vector<1x16xf32>,
        %get3A_201 = vector.shape_cast %get3A_200 : vector<1x16xf32> to vector<16xf32>
        %sub3A_202 = arith.subf %get3A_37, %get3A_201 : vector<16xf32>
        %mul3A_203 = arith.mulf %gather3A_163, %sub3A_202 : vector<16xf32>
        %add3A_204 = arith.addf %get3A_201, %mul3A_203 : vector<16xf32>
        %swap3A_205 = arith.index_cast %scan3A_161 : i32 to index
        %swap3A_206 = arith.constant 48 : index
        %swap3A_207 = tpu.vector_load %arg12[%swap3A_205, %swap3A_206] {strides = array<i32>} : memref<16x256xf32, #tpu.memory_space<vmem>>, vector<1x16xf32>,
        %swap3A_208 = vector.shape_cast %swap3A_207 : vector<1x16xf32> to vector<16xf32>
        %swap3A_209 = vector.shape_cast %add3A_204 : vector<16xf32> to vector<1x16xf32>
        tpu.vector_store %arg12[%swap3A_205, %swap3A_206], %swap3A_209 {strides = array<i32>} : memref<16x256xf32, #tpu.memory_space<vmem>>, vector<1x16xf32>,
        %get3A_210 = arith.index_cast %scan3A_161 : i32 to index
        %get3A_211 = arith.constant 64 : index
        %get3A_212 = tpu.vector_load %arg12[%get3A_210, %get3A_211] {strides = array<i32>} : memref<16x256xf32, #tpu.memory_space<vmem>>, vector<1x16xf32>,
        %get3A_213 = vector.shape_cast %get3A_212 : vector<1x16xf32> to vector<16xf32>
        %sub3A_214 = arith.subf %get3A_40, %get3A_213 : vector<16xf32>
        %mul3A_215 = arith.mulf %gather3A_163, %sub3A_214 : vector<16xf32>
        %add3A_216 = arith.addf %get3A_213, %mul3A_215 : vector<16xf32>
        %swap3A_217 = arith.index_cast %scan3A_161 : i32 to index
        %swap3A_218 = arith.constant 64 : index
        %swap3A_219 = tpu.vector_load %arg12[%swap3A_217, %swap3A_218] {strides = array<i32>} : memref<16x256xf32, #tpu.memory_space<vmem>>, vector<1x16xf32>,
        %swap3A_220 = vector.shape_cast %swap3A_219 : vector<1x16xf32> to vector<16xf32>
        %swap3A_221 = vector.shape_cast %add3A_216 : vector<16xf32> to vector<1x16xf32>
        tpu.vector_store %arg12[%swap3A_217, %swap3A_218], %swap3A_221 {strides = array<i32>} : memref<16x256xf32, #tpu.memory_space<vmem>>, vector<1x16xf32>,
        %get3A_222 = arith.index_cast %scan3A_161 : i32 to index
        %get3A_223 = arith.constant 80 : index
        %get3A_224 = tpu.vector_load %arg12[%get3A_222, %get3A_223] {strides = array<i32>} : memref<16x256xf32, #tpu.memory_space<vmem>>, vector<1x16xf32>,
        %get3A_225 = vector.shape_cast %get3A_224 : vector<1x16xf32> to vector<16xf32>
        %sub3A_226 = arith.subf %get3A_43, %get3A_225 : vector<16xf32>
        %mul3A_227 = arith.mulf %gather3A_163, %sub3A_226 : vector<16xf32>
        %add3A_228 = arith.addf %get3A_225, %mul3A_227 : vector<16xf32>
        %swap3A_229 = arith.index_cast %scan3A_161 : i32 to index
        %swap3A_230 = arith.constant 80 : index
        %swap3A_231 = tpu.vector_load %arg12[%swap3A_229, %swap3A_230] {strides = array<i32>} : memref<16x256xf32, #tpu.memory_space<vmem>>, vector<1x16xf32>,
        %swap3A_232 = vector.shape_cast %swap3A_231 : vector<1x16xf32> to vector<16xf32>
        %swap3A_233 = vector.shape_cast %add3A_228 : vector<16xf32> to vector<1x16xf32>
        tpu.vector_store %arg12[%swap3A_229, %swap3A_230], %swap3A_233 {strides = array<i32>} : memref<16x256xf32, #tpu.memory_space<vmem>>, vector<1x16xf32>,
        %get3A_234 = arith.index_cast %scan3A_161 : i32 to index
        %get3A_235 = arith.constant 96 : index
        %get3A_236 = tpu.vector_load %arg12[%get3A_234, %get3A_235] {strides = array<i32>} : memref<16x256xf32, #tpu.memory_space<vmem>>, vector<1x16xf32>,
        %get3A_237 = vector.shape_cast %get3A_236 : vector<1x16xf32> to vector<16xf32>
        %sub3A_238 = arith.subf %get3A_46, %get3A_237 : vector<16xf32>
        %mul3A_239 = arith.mulf %gather3A_163, %sub3A_238 : vector<16xf32>
        %add3A_240 = arith.addf %get3A_237, %mul3A_239 : vector<16xf32>
        %swap3A_241 = arith.index_cast %scan3A_161 : i32 to index
        %swap3A_242 = arith.constant 96 : index
        %swap3A_243 = tpu.vector_load %arg12[%swap3A_241, %swap3A_242] {strides = array<i32>} : memref<16x256xf32, #tpu.memory_space<vmem>>, vector<1x16xf32>,
        %swap3A_244 = vector.shape_cast %swap3A_243 : vector<1x16xf32> to vector<16xf32>
        %swap3A_245 = vector.shape_cast %add3A_240 : vector<16xf32> to vector<1x16xf32>
        tpu.vector_store %arg12[%swap3A_241, %swap3A_242], %swap3A_245 {strides = array<i32>} : memref<16x256xf32, #tpu.memory_space<vmem>>, vector<1x16xf32>,
        %get3A_246 = arith.index_cast %scan3A_161 : i32 to index
        %get3A_247 = arith.constant 112 : index
        %get3A_248 = tpu.vector_load %arg12[%get3A_246, %get3A_247] {strides = array<i32>} : memref<16x256xf32, #tpu.memory_space<vmem>>, vector<1x16xf32>,
        %get3A_249 = vector.shape_cast %get3A_248 : vector<1x16xf32> to vector<16xf32>
        %sub3A_250 = arith.subf %get3A_49, %get3A_249 : vector<16xf32>
        %mul3A_251 = arith.mulf %gather3A_163, %sub3A_250 : vector<16xf32>
        %add3A_252 = arith.addf %get3A_249, %mul3A_251 : vector<16xf32>
        %swap3A_253 = arith.index_cast %scan3A_161 : i32 to index
        %swap3A_254 = arith.constant 112 : index
        %swap3A_255 = tpu.vector_load %arg12[%swap3A_253, %swap3A_254] {strides = array<i32>} : memref<16x256xf32, #tpu.memory_space<vmem>>, vector<1x16xf32>,
        %swap3A_256 = vector.shape_cast %swap3A_255 : vector<1x16xf32> to vector<16xf32>
        %swap3A_257 = vector.shape_cast %add3A_252 : vector<16xf32> to vector<1x16xf32>
        tpu.vector_store %arg12[%swap3A_253, %swap3A_254], %swap3A_257 {strides = array<i32>} : memref<16x256xf32, #tpu.memory_space<vmem>>, vector<1x16xf32>,
        %get3A_258 = arith.index_cast %scan3A_161 : i32 to index
        %get3A_259 = arith.constant 128 : index
        %get3A_260 = tpu.vector_load %arg12[%get3A_258, %get3A_259] {strides = array<i32>} : memref<16x256xf32, #tpu.memory_space<vmem>>, vector<1x16xf32>,
        %get3A_261 = vector.shape_cast %get3A_260 : vector<1x16xf32> to vector<16xf32>
        %sub3A_262 = arith.subf %get3A_52, %get3A_261 : vector<16xf32>
        %mul3A_263 = arith.mulf %gather3A_163, %sub3A_262 : vector<16xf32>
        %add3A_264 = arith.addf %get3A_261, %mul3A_263 : vector<16xf32>
        %swap3A_265 = arith.index_cast %scan3A_161 : i32 to index
        %swap3A_266 = arith.constant 128 : index
        %swap3A_267 = tpu.vector_load %arg12[%swap3A_265, %swap3A_266] {strides = array<i32>} : memref<16x256xf32, #tpu.memory_space<vmem>>, vector<1x16xf32>,
        %swap3A_268 = vector.shape_cast %swap3A_267 : vector<1x16xf32> to vector<16xf32>
        %swap3A_269 = vector.shape_cast %add3A_264 : vector<16xf32> to vector<1x16xf32>
        tpu.vector_store %arg12[%swap3A_265, %swap3A_266], %swap3A_269 {strides = array<i32>} : memref<16x256xf32, #tpu.memory_space<vmem>>, vector<1x16xf32>,
        %get3A_270 = arith.index_cast %scan3A_161 : i32 to index
        %get3A_271 = arith.constant 144 : index
        %get3A_272 = tpu.vector_load %arg12[%get3A_270, %get3A_271] {strides = array<i32>} : memref<16x256xf32, #tpu.memory_space<vmem>>, vector<1x16xf32>,
        %get3A_273 = vector.shape_cast %get3A_272 : vector<1x16xf32> to vector<16xf32>
        %sub3A_274 = arith.subf %get3A_55, %get3A_273 : vector<16xf32>
        %mul3A_275 = arith.mulf %gather3A_163, %sub3A_274 : vector<16xf32>
        %add3A_276 = arith.addf %get3A_273, %mul3A_275 : vector<16xf32>
        %swap3A_277 = arith.index_cast %scan3A_161 : i32 to index
        %swap3A_278 = arith.constant 144 : index
        %swap3A_279 = tpu.vector_load %arg12[%swap3A_277, %swap3A_278] {strides = array<i32>} : memref<16x256xf32, #tpu.memory_space<vmem>>, vector<1x16xf32>,
        %swap3A_280 = vector.shape_cast %swap3A_279 : vector<1x16xf32> to vector<16xf32>
        %swap3A_281 = vector.shape_cast %add3A_276 : vector<16xf32> to vector<1x16xf32>
        tpu.vector_store %arg12[%swap3A_277, %swap3A_278], %swap3A_281 {strides = array<i32>} : memref<16x256xf32, #tpu.memory_space<vmem>>, vector<1x16xf32>,
        %get3A_282 = arith.index_cast %scan3A_161 : i32 to index
        %get3A_283 = arith.constant 160 : index
        %get3A_284 = tpu.vector_load %arg12[%get3A_282, %get3A_283] {strides = array<i32>} : memref<16x256xf32, #tpu.memory_space<vmem>>, vector<1x16xf32>,
        %get3A_285 = vector.shape_cast %get3A_284 : vector<1x16xf32> to vector<16xf32>
        %sub3A_286 = arith.subf %get3A_58, %get3A_285 : vector<16xf32>
        %mul3A_287 = arith.mulf %gather3A_163, %sub3A_286 : vector<16xf32>
        %add3A_288 = arith.addf %get3A_285, %mul3A_287 : vector<16xf32>
        %swap3A_289 = arith.index_cast %scan3A_161 : i32 to index
        %swap3A_290 = arith.constant 160 : index
        %swap3A_291 = tpu.vector_load %arg12[%swap3A_289, %swap3A_290] {strides = array<i32>} : memref<16x256xf32, #tpu.memory_space<vmem>>, vector<1x16xf32>,
        %swap3A_292 = vector.shape_cast %swap3A_291 : vector<1x16xf32> to vector<16xf32>
        %swap3A_293 = vector.shape_cast %add3A_288 : vector<16xf32> to vector<1x16xf32>
        tpu.vector_store %arg12[%swap3A_289, %swap3A_290], %swap3A_293 {strides = array<i32>} : memref<16x256xf32, #tpu.memory_space<vmem>>, vector<1x16xf32>,
        %get3A_294 = arith.index_cast %scan3A_161 : i32 to index
        %get3A_295 = arith.constant 176 : index
        %get3A_296 = tpu.vector_load %arg12[%get3A_294, %get3A_295] {strides = array<i32>} : memref<16x256xf32, #tpu.memory_space<vmem>>, vector<1x16xf32>,
        %get3A_297 = vector.shape_cast %get3A_296 : vector<1x16xf32> to vector<16xf32>
        %sub3A_298 = arith.subf %get3A_61, %get3A_297 : vector<16xf32>
        %mul3A_299 = arith.mulf %gather3A_163, %sub3A_298 : vector<16xf32>
        %add3A_300 = arith.addf %get3A_297, %mul3A_299 : vector<16xf32>
        %swap3A_301 = arith.index_cast %scan3A_161 : i32 to index
        %swap3A_302 = arith.constant 176 : index
        %swap3A_303 = tpu.vector_load %arg12[%swap3A_301, %swap3A_302] {strides = array<i32>} : memref<16x256xf32, #tpu.memory_space<vmem>>, vector<1x16xf32>,
        %swap3A_304 = vector.shape_cast %swap3A_303 : vector<1x16xf32> to vector<16xf32>
        %swap3A_305 = vector.shape_cast %add3A_300 : vector<16xf32> to vector<1x16xf32>
        tpu.vector_store %arg12[%swap3A_301, %swap3A_302], %swap3A_305 {strides = array<i32>} : memref<16x256xf32, #tpu.memory_space<vmem>>, vector<1x16xf32>,
        %get3A_306 = arith.index_cast %scan3A_161 : i32 to index
        %get3A_307 = arith.constant 192 : index
        %get3A_308 = tpu.vector_load %arg12[%get3A_306, %get3A_307] {strides = array<i32>} : memref<16x256xf32, #tpu.memory_space<vmem>>, vector<1x16xf32>,
        %get3A_309 = vector.shape_cast %get3A_308 : vector<1x16xf32> to vector<16xf32>
        %sub3A_310 = arith.subf %get3A_64, %get3A_309 : vector<16xf32>
        %mul3A_311 = arith.mulf %gather3A_163, %sub3A_310 : vector<16xf32>
        %add3A_312 = arith.addf %get3A_309, %mul3A_311 : vector<16xf32>
        %swap3A_313 = arith.index_cast %scan3A_161 : i32 to index
        %swap3A_314 = arith.constant 192 : index
        %swap3A_315 = tpu.vector_load %arg12[%swap3A_313, %swap3A_314] {strides = array<i32>} : memref<16x256xf32, #tpu.memory_space<vmem>>, vector<1x16xf32>,
        %swap3A_316 = vector.shape_cast %swap3A_315 : vector<1x16xf32> to vector<16xf32>
        %swap3A_317 = vector.shape_cast %add3A_312 : vector<16xf32> to vector<1x16xf32>
        tpu.vector_store %arg12[%swap3A_313, %swap3A_314], %swap3A_317 {strides = array<i32>} : memref<16x256xf32, #tpu.memory_space<vmem>>, vector<1x16xf32>,
        %get3A_318 = arith.index_cast %scan3A_161 : i32 to index
        %get3A_319 = arith.constant 208 : index
        %get3A_320 = tpu.vector_load %arg12[%get3A_318, %get3A_319] {strides = array<i32>} : memref<16x256xf32, #tpu.memory_space<vmem>>, vector<1x16xf32>,
        %get3A_321 = vector.shape_cast %get3A_320 : vector<1x16xf32> to vector<16xf32>
        %sub3A_322 = arith.subf %get3A_67, %get3A_321 : vector<16xf32>
        %mul3A_323 = arith.mulf %gather3A_163, %sub3A_322 : vector<16xf32>
        %add3A_324 = arith.addf %get3A_321, %mul3A_323 : vector<16xf32>
        %swap3A_325 = arith.index_cast %scan3A_161 : i32 to index
        %swap3A_326 = arith.constant 208 : index
        %swap3A_327 = tpu.vector_load %arg12[%swap3A_325, %swap3A_326] {strides = array<i32>} : memref<16x256xf32, #tpu.memory_space<vmem>>, vector<1x16xf32>,
        %swap3A_328 = vector.shape_cast %swap3A_327 : vector<1x16xf32> to vector<16xf32>
        %swap3A_329 = vector.shape_cast %add3A_324 : vector<16xf32> to vector<1x16xf32>
        tpu.vector_store %arg12[%swap3A_325, %swap3A_326], %swap3A_329 {strides = array<i32>} : memref<16x256xf32, #tpu.memory_space<vmem>>, vector<1x16xf32>,
        %get3A_330 = arith.index_cast %scan3A_161 : i32 to index
        %get3A_331 = arith.constant 224 : index
        %get3A_332 = tpu.vector_load %arg12[%get3A_330, %get3A_331] {strides = array<i32>} : memref<16x256xf32, #tpu.memory_space<vmem>>, vector<1x16xf32>,
        %get3A_333 = vector.shape_cast %get3A_332 : vector<1x16xf32> to vector<16xf32>
        %sub3A_334 = arith.subf %get3A_70, %get3A_333 : vector<16xf32>
        %mul3A_335 = arith.mulf %gather3A_163, %sub3A_334 : vector<16xf32>
        %add3A_336 = arith.addf %get3A_333, %mul3A_335 : vector<16xf32>
        %swap3A_337 = arith.index_cast %scan3A_161 : i32 to index
        %swap3A_338 = arith.constant 224 : index
        %swap3A_339 = tpu.vector_load %arg12[%swap3A_337, %swap3A_338] {strides = array<i32>} : memref<16x256xf32, #tpu.memory_space<vmem>>, vector<1x16xf32>,
        %swap3A_340 = vector.shape_cast %swap3A_339 : vector<1x16xf32> to vector<16xf32>
        %swap3A_341 = vector.shape_cast %add3A_336 : vector<16xf32> to vector<1x16xf32>
        tpu.vector_store %arg12[%swap3A_337, %swap3A_338], %swap3A_341 {strides = array<i32>} : memref<16x256xf32, #tpu.memory_space<vmem>>, vector<1x16xf32>,
        %get3A_342 = arith.index_cast %scan3A_161 : i32 to index
        %get3A_343 = arith.constant 240 : index
        %get3A_344 = tpu.vector_load %arg12[%get3A_342, %get3A_343] {strides = array<i32>} : memref<16x256xf32, #tpu.memory_space<vmem>>, vector<1x16xf32>,
        %get3A_345 = vector.shape_cast %get3A_344 : vector<1x16xf32> to vector<16xf32>
        %sub3A_346 = arith.subf %get3A_73, %get3A_345 : vector<16xf32>
        %mul3A_347 = arith.mulf %gather3A_163, %sub3A_346 : vector<16xf32>
        %add3A_348 = arith.addf %get3A_345, %mul3A_347 : vector<16xf32>
        %swap3A_349 = arith.index_cast %scan3A_161 : i32 to index
        %swap3A_350 = arith.constant 240 : index
        %swap3A_351 = tpu.vector_load %arg12[%swap3A_349, %swap3A_350] {strides = array<i32>} : memref<16x256xf32, #tpu.memory_space<vmem>>, vector<1x16xf32>,
        %swap3A_352 = vector.shape_cast %swap3A_351 : vector<1x16xf32> to vector<16xf32>
        %swap3A_353 = vector.shape_cast %add3A_348 : vector<16xf32> to vector<1x16xf32>
        tpu.vector_store %arg12[%swap3A_349, %swap3A_350], %swap3A_353 {strides = array<i32>} : memref<16x256xf32, #tpu.memory_space<vmem>>, vector<1x16xf32>,
      }
      %scan3A_121 = arith.constant 16 : i32
      %dma_start3A_122 = arith.constant 0 : i32
      %dma_start3A_123 = tpu.memref_slice %arg7[%add3A_96, %dma_start3A_122] : memref<4096x256xf32, #tpu.memory_space<hbm>> -> memref<16x256xf32, #tpu.memory_space<hbm>>
      %dma_start3A_124 = arith.constant 0 : i32
      %dma_start3A_125 = tpu.memref_slice %arg7[%add3A_96, %dma_start3A_124] : memref<4096x256xf32, #tpu.memory_space<hbm>> -> memref<16x256xf32, #tpu.memory_space<hbm>>
      tpu.enqueue_dma source(%arg12 : memref<16x256xf32, #tpu.memory_space<vmem>>) target(%dma_start3A_125 : memref<16x256xf32, #tpu.memory_space<hbm>>) target_semaphore(%arg17 : memref<!tpu.dma_semaphore, #tpu.memory_space<semaphore_mem>>)
      %dma_wait3A_126 = arith.constant 0 : i32
      %dma_wait3A_127 = tpu.memref_slice %arg3[%add3A_98, %dma_wait3A_126] : memref<4096x256xf32, #tpu.memory_space<hbm>> -> memref<16x256xf32, #tpu.memory_space<hbm>>
      %dma_wait3A_128 = arith.constant 0 : i32
      %dma_wait3A_129 = tpu.memref_slice %arg3[%add3A_98, %dma_wait3A_128] : memref<4096x256xf32, #tpu.memory_space<hbm>> -> memref<16x256xf32, #tpu.memory_space<hbm>>
      tpu.wait_dma2 semaphore(%arg16 : memref<!tpu.dma_semaphore, #tpu.memory_space<semaphore_mem>>) src(%dma_wait3A_129 : memref<16x256xf32, #tpu.memory_space<hbm>>) dst(%arg13 : memref<16x256xf32, #tpu.memory_space<vmem>>)
      %get3A_130 = arith.constant 0 : i32
      %get3A_131 = arith.index_cast %get3A_130 : i32 to index
      %get3A_132 = arith.index_cast %add3A_98 : i32 to index
      %get3A_133 = tpu.vector_load %arg11[%get3A_131, %get3A_132] {strides = array<i32>} : memref<1x4096xf32, #tpu.memory_space<vmem>>, vector<1x16xf32>,
      %get3A_134 = vector.shape_cast %get3A_133 : vector<1x16xf32> to vector<16xf32>
      %iota3A_135 = tpu.iota {dimensions = array<i32: 0>} : vector<16xi32>
      %add3A_136 = vector.broadcast %add3A_98 : i32 to vector<16xi32>
      %add3A_137 = arith.addi %add3A_136, %iota3A_135 : vector<16xi32>
      %eq3A_138 = arith.cmpi eq, %add3A_137, %get3A_18 : vector<16xi32>
      %gt3A_139 = arith.constant 0.000000e+00 : f32
      %gt3A_140 = vector.broadcast %gt3A_139 : f32 to vector<16xf32>
      %gt3A_141 = arith.cmpf ogt, %get3A_134, %gt3A_140 : vector<16xf32>
      %jit3A_142 = arith.constant 0.000000e+00 : f32
      %broadcast_in_dim3A_143 = vector.broadcast %jit3A_142 : f32 to vector<16xf32>
      %select_n3A_144 = arith.select %gt3A_141, %get3A_134, %broadcast_in_dim3A_143 : vector<16xi1>, vector<16xf32>
      %jit3A_145 = arith.constant 1.000000e+00 : f32
      %broadcast_in_dim3A_146 = vector.broadcast %jit3A_145 : f32 to vector<16xf32>
      %select_n3A_147 = arith.select %eq3A_138, %broadcast_in_dim3A_146, %select_n3A_144 : vector<16xi1>, vector<16xf32>
      %mul3A_148 = arith.mulf %get3A_21, %select_n3A_147 : vector<16xf32>
      %scan3A_149 = arith.constant 0 : i32
      %scan3A_150 = arith.constant 0 : i32
      %scan3A_151 = arith.constant 16 : i32
      %scan3A_152 = arith.addi %scan3A_150, %scan3A_151 : i32
      %scan3A_153 = arith.constant 1 : i32
      scf.for %scan3A_161 = %scan3A_150 to %scan3A_152 step %scan3A_153  : i32 {
        %broadcast_in_dim3A_162 = vector.broadcast %scan3A_161 : i32 to vector<16x1xi32>
        %gather3A = vector.shape_cast %broadcast_in_dim3A_162 : vector<16x1xi32> to vector<16xi32>
        %gather3A_163 = tpu.dynamic_gather %mul3A_148[%gather3A] in [0] : vector<16xf32>, vector<16xi32> -> vector<16xf32>
        %get3A_164 = arith.index_cast %scan3A_161 : i32 to index
        %get3A_165 = arith.constant 0 : index
        %get3A_166 = tpu.vector_load %arg13[%get3A_164, %get3A_165] {strides = array<i32>} : memref<16x256xf32, #tpu.memory_space<vmem>>, vector<1x16xf32>,
        %get3A_167 = vector.shape_cast %get3A_166 : vector<1x16xf32> to vector<16xf32>
        %sub3A = arith.subf %get3A_28, %get3A_167 : vector<16xf32>
        %mul3A_168 = arith.mulf %gather3A_163, %sub3A : vector<16xf32>
        %add3A_169 = arith.addf %get3A_167, %mul3A_168 : vector<16xf32>
        %swap3A = arith.index_cast %scan3A_161 : i32 to index
        %swap3A_170 = arith.constant 0 : index
        %swap3A_171 = tpu.vector_load %arg13[%swap3A, %swap3A_170] {strides = array<i32>} : memref<16x256xf32, #tpu.memory_space<vmem>>, vector<1x16xf32>,
        %swap3A_172 = vector.shape_cast %swap3A_171 : vector<1x16xf32> to vector<16xf32>
        %swap3A_173 = vector.shape_cast %add3A_169 : vector<16xf32> to vector<1x16xf32>
        tpu.vector_store %arg13[%swap3A, %swap3A_170], %swap3A_173 {strides = array<i32>} : memref<16x256xf32, #tpu.memory_space<vmem>>, vector<1x16xf32>,
        %get3A_174 = arith.index_cast %scan3A_161 : i32 to index
        %get3A_175 = arith.constant 16 : index
        %get3A_176 = tpu.vector_load %arg13[%get3A_174, %get3A_175] {strides = array<i32>} : memref<16x256xf32, #tpu.memory_space<vmem>>, vector<1x16xf32>,
        %get3A_177 = vector.shape_cast %get3A_176 : vector<1x16xf32> to vector<16xf32>
        %sub3A_178 = arith.subf %get3A_31, %get3A_177 : vector<16xf32>
        %mul3A_179 = arith.mulf %gather3A_163, %sub3A_178 : vector<16xf32>
        %add3A_180 = arith.addf %get3A_177, %mul3A_179 : vector<16xf32>
        %swap3A_181 = arith.index_cast %scan3A_161 : i32 to index
        %swap3A_182 = arith.constant 16 : index
        %swap3A_183 = tpu.vector_load %arg13[%swap3A_181, %swap3A_182] {strides = array<i32>} : memref<16x256xf32, #tpu.memory_space<vmem>>, vector<1x16xf32>,
        %swap3A_184 = vector.shape_cast %swap3A_183 : vector<1x16xf32> to vector<16xf32>
        %swap3A_185 = vector.shape_cast %add3A_180 : vector<16xf32> to vector<1x16xf32>
        tpu.vector_store %arg13[%swap3A_181, %swap3A_182], %swap3A_185 {strides = array<i32>} : memref<16x256xf32, #tpu.memory_space<vmem>>, vector<1x16xf32>,
        %get3A_186 = arith.index_cast %scan3A_161 : i32 to index
        %get3A_187 = arith.constant 32 : index
        %get3A_188 = tpu.vector_load %arg13[%get3A_186, %get3A_187] {strides = array<i32>} : memref<16x256xf32, #tpu.memory_space<vmem>>, vector<1x16xf32>,
        %get3A_189 = vector.shape_cast %get3A_188 : vector<1x16xf32> to vector<16xf32>
        %sub3A_190 = arith.subf %get3A_34, %get3A_189 : vector<16xf32>
        %mul3A_191 = arith.mulf %gather3A_163, %sub3A_190 : vector<16xf32>
        %add3A_192 = arith.addf %get3A_189, %mul3A_191 : vector<16xf32>
        %swap3A_193 = arith.index_cast %scan3A_161 : i32 to index
        %swap3A_194 = arith.constant 32 : index
        %swap3A_195 = tpu.vector_load %arg13[%swap3A_193, %swap3A_194] {strides = array<i32>} : memref<16x256xf32, #tpu.memory_space<vmem>>, vector<1x16xf32>,
        %swap3A_196 = vector.shape_cast %swap3A_195 : vector<1x16xf32> to vector<16xf32>
        %swap3A_197 = vector.shape_cast %add3A_192 : vector<16xf32> to vector<1x16xf32>
        tpu.vector_store %arg13[%swap3A_193, %swap3A_194], %swap3A_197 {strides = array<i32>} : memref<16x256xf32, #tpu.memory_space<vmem>>, vector<1x16xf32>,
        %get3A_198 = arith.index_cast %scan3A_161 : i32 to index
        %get3A_199 = arith.constant 48 : index
        %get3A_200 = tpu.vector_load %arg13[%get3A_198, %get3A_199] {strides = array<i32>} : memref<16x256xf32, #tpu.memory_space<vmem>>, vector<1x16xf32>,
        %get3A_201 = vector.shape_cast %get3A_200 : vector<1x16xf32> to vector<16xf32>
        %sub3A_202 = arith.subf %get3A_37, %get3A_201 : vector<16xf32>
        %mul3A_203 = arith.mulf %gather3A_163, %sub3A_202 : vector<16xf32>
        %add3A_204 = arith.addf %get3A_201, %mul3A_203 : vector<16xf32>
        %swap3A_205 = arith.index_cast %scan3A_161 : i32 to index
        %swap3A_206 = arith.constant 48 : index
        %swap3A_207 = tpu.vector_load %arg13[%swap3A_205, %swap3A_206] {strides = array<i32>} : memref<16x256xf32, #tpu.memory_space<vmem>>, vector<1x16xf32>,
        %swap3A_208 = vector.shape_cast %swap3A_207 : vector<1x16xf32> to vector<16xf32>
        %swap3A_209 = vector.shape_cast %add3A_204 : vector<16xf32> to vector<1x16xf32>
        tpu.vector_store %arg13[%swap3A_205, %swap3A_206], %swap3A_209 {strides = array<i32>} : memref<16x256xf32, #tpu.memory_space<vmem>>, vector<1x16xf32>,
        %get3A_210 = arith.index_cast %scan3A_161 : i32 to index
        %get3A_211 = arith.constant 64 : index
        %get3A_212 = tpu.vector_load %arg13[%get3A_210, %get3A_211] {strides = array<i32>} : memref<16x256xf32, #tpu.memory_space<vmem>>, vector<1x16xf32>,
        %get3A_213 = vector.shape_cast %get3A_212 : vector<1x16xf32> to vector<16xf32>
        %sub3A_214 = arith.subf %get3A_40, %get3A_213 : vector<16xf32>
        %mul3A_215 = arith.mulf %gather3A_163, %sub3A_214 : vector<16xf32>
        %add3A_216 = arith.addf %get3A_213, %mul3A_215 : vector<16xf32>
        %swap3A_217 = arith.index_cast %scan3A_161 : i32 to index
        %swap3A_218 = arith.constant 64 : index
        %swap3A_219 = tpu.vector_load %arg13[%swap3A_217, %swap3A_218] {strides = array<i32>} : memref<16x256xf32, #tpu.memory_space<vmem>>, vector<1x16xf32>,
        %swap3A_220 = vector.shape_cast %swap3A_219 : vector<1x16xf32> to vector<16xf32>
        %swap3A_221 = vector.shape_cast %add3A_216 : vector<16xf32> to vector<1x16xf32>
        tpu.vector_store %arg13[%swap3A_217, %swap3A_218], %swap3A_221 {strides = array<i32>} : memref<16x256xf32, #tpu.memory_space<vmem>>, vector<1x16xf32>,
        %get3A_222 = arith.index_cast %scan3A_161 : i32 to index
        %get3A_223 = arith.constant 80 : index
        %get3A_224 = tpu.vector_load %arg13[%get3A_222, %get3A_223] {strides = array<i32>} : memref<16x256xf32, #tpu.memory_space<vmem>>, vector<1x16xf32>,
        %get3A_225 = vector.shape_cast %get3A_224 : vector<1x16xf32> to vector<16xf32>
        %sub3A_226 = arith.subf %get3A_43, %get3A_225 : vector<16xf32>
        %mul3A_227 = arith.mulf %gather3A_163, %sub3A_226 : vector<16xf32>
        %add3A_228 = arith.addf %get3A_225, %mul3A_227 : vector<16xf32>
        %swap3A_229 = arith.index_cast %scan3A_161 : i32 to index
        %swap3A_230 = arith.constant 80 : index
        %swap3A_231 = tpu.vector_load %arg13[%swap3A_229, %swap3A_230] {strides = array<i32>} : memref<16x256xf32, #tpu.memory_space<vmem>>, vector<1x16xf32>,
        %swap3A_232 = vector.shape_cast %swap3A_231 : vector<1x16xf32> to vector<16xf32>
        %swap3A_233 = vector.shape_cast %add3A_228 : vector<16xf32> to vector<1x16xf32>
        tpu.vector_store %arg13[%swap3A_229, %swap3A_230], %swap3A_233 {strides = array<i32>} : memref<16x256xf32, #tpu.memory_space<vmem>>, vector<1x16xf32>,
        %get3A_234 = arith.index_cast %scan3A_161 : i32 to index
        %get3A_235 = arith.constant 96 : index
        %get3A_236 = tpu.vector_load %arg13[%get3A_234, %get3A_235] {strides = array<i32>} : memref<16x256xf32, #tpu.memory_space<vmem>>, vector<1x16xf32>,
        %get3A_237 = vector.shape_cast %get3A_236 : vector<1x16xf32> to vector<16xf32>
        %sub3A_238 = arith.subf %get3A_46, %get3A_237 : vector<16xf32>
        %mul3A_239 = arith.mulf %gather3A_163, %sub3A_238 : vector<16xf32>
        %add3A_240 = arith.addf %get3A_237, %mul3A_239 : vector<16xf32>
        %swap3A_241 = arith.index_cast %scan3A_161 : i32 to index
        %swap3A_242 = arith.constant 96 : index
        %swap3A_243 = tpu.vector_load %arg13[%swap3A_241, %swap3A_242] {strides = array<i32>} : memref<16x256xf32, #tpu.memory_space<vmem>>, vector<1x16xf32>,
        %swap3A_244 = vector.shape_cast %swap3A_243 : vector<1x16xf32> to vector<16xf32>
        %swap3A_245 = vector.shape_cast %add3A_240 : vector<16xf32> to vector<1x16xf32>
        tpu.vector_store %arg13[%swap3A_241, %swap3A_242], %swap3A_245 {strides = array<i32>} : memref<16x256xf32, #tpu.memory_space<vmem>>, vector<1x16xf32>,
        %get3A_246 = arith.index_cast %scan3A_161 : i32 to index
        %get3A_247 = arith.constant 112 : index
        %get3A_248 = tpu.vector_load %arg13[%get3A_246, %get3A_247] {strides = array<i32>} : memref<16x256xf32, #tpu.memory_space<vmem>>, vector<1x16xf32>,
        %get3A_249 = vector.shape_cast %get3A_248 : vector<1x16xf32> to vector<16xf32>
        %sub3A_250 = arith.subf %get3A_49, %get3A_249 : vector<16xf32>
        %mul3A_251 = arith.mulf %gather3A_163, %sub3A_250 : vector<16xf32>
        %add3A_252 = arith.addf %get3A_249, %mul3A_251 : vector<16xf32>
        %swap3A_253 = arith.index_cast %scan3A_161 : i32 to index
        %swap3A_254 = arith.constant 112 : index
        %swap3A_255 = tpu.vector_load %arg13[%swap3A_253, %swap3A_254] {strides = array<i32>} : memref<16x256xf32, #tpu.memory_space<vmem>>, vector<1x16xf32>,
        %swap3A_256 = vector.shape_cast %swap3A_255 : vector<1x16xf32> to vector<16xf32>
        %swap3A_257 = vector.shape_cast %add3A_252 : vector<16xf32> to vector<1x16xf32>
        tpu.vector_store %arg13[%swap3A_253, %swap3A_254], %swap3A_257 {strides = array<i32>} : memref<16x256xf32, #tpu.memory_space<vmem>>, vector<1x16xf32>,
        %get3A_258 = arith.index_cast %scan3A_161 : i32 to index
        %get3A_259 = arith.constant 128 : index
        %get3A_260 = tpu.vector_load %arg13[%get3A_258, %get3A_259] {strides = array<i32>} : memref<16x256xf32, #tpu.memory_space<vmem>>, vector<1x16xf32>,
        %get3A_261 = vector.shape_cast %get3A_260 : vector<1x16xf32> to vector<16xf32>
        %sub3A_262 = arith.subf %get3A_52, %get3A_261 : vector<16xf32>
        %mul3A_263 = arith.mulf %gather3A_163, %sub3A_262 : vector<16xf32>
        %add3A_264 = arith.addf %get3A_261, %mul3A_263 : vector<16xf32>
        %swap3A_265 = arith.index_cast %scan3A_161 : i32 to index
        %swap3A_266 = arith.constant 128 : index
        %swap3A_267 = tpu.vector_load %arg13[%swap3A_265, %swap3A_266] {strides = array<i32>} : memref<16x256xf32, #tpu.memory_space<vmem>>, vector<1x16xf32>,
        %swap3A_268 = vector.shape_cast %swap3A_267 : vector<1x16xf32> to vector<16xf32>
        %swap3A_269 = vector.shape_cast %add3A_264 : vector<16xf32> to vector<1x16xf32>
        tpu.vector_store %arg13[%swap3A_265, %swap3A_266], %swap3A_269 {strides = array<i32>} : memref<16x256xf32, #tpu.memory_space<vmem>>, vector<1x16xf32>,
        %get3A_270 = arith.index_cast %scan3A_161 : i32 to index
        %get3A_271 = arith.constant 144 : index
        %get3A_272 = tpu.vector_load %arg13[%get3A_270, %get3A_271] {strides = array<i32>} : memref<16x256xf32, #tpu.memory_space<vmem>>, vector<1x16xf32>,
        %get3A_273 = vector.shape_cast %get3A_272 : vector<1x16xf32> to vector<16xf32>
        %sub3A_274 = arith.subf %get3A_55, %get3A_273 : vector<16xf32>
        %mul3A_275 = arith.mulf %gather3A_163, %sub3A_274 : vector<16xf32>
        %add3A_276 = arith.addf %get3A_273, %mul3A_275 : vector<16xf32>
        %swap3A_277 = arith.index_cast %scan3A_161 : i32 to index
        %swap3A_278 = arith.constant 144 : index
        %swap3A_279 = tpu.vector_load %arg13[%swap3A_277, %swap3A_278] {strides = array<i32>} : memref<16x256xf32, #tpu.memory_space<vmem>>, vector<1x16xf32>,
        %swap3A_280 = vector.shape_cast %swap3A_279 : vector<1x16xf32> to vector<16xf32>
        %swap3A_281 = vector.shape_cast %add3A_276 : vector<16xf32> to vector<1x16xf32>
        tpu.vector_store %arg13[%swap3A_277, %swap3A_278], %swap3A_281 {strides = array<i32>} : memref<16x256xf32, #tpu.memory_space<vmem>>, vector<1x16xf32>,
        %get3A_282 = arith.index_cast %scan3A_161 : i32 to index
        %get3A_283 = arith.constant 160 : index
        %get3A_284 = tpu.vector_load %arg13[%get3A_282, %get3A_283] {strides = array<i32>} : memref<16x256xf32, #tpu.memory_space<vmem>>, vector<1x16xf32>,
        %get3A_285 = vector.shape_cast %get3A_284 : vector<1x16xf32> to vector<16xf32>
        %sub3A_286 = arith.subf %get3A_58, %get3A_285 : vector<16xf32>
        %mul3A_287 = arith.mulf %gather3A_163, %sub3A_286 : vector<16xf32>
        %add3A_288 = arith.addf %get3A_285, %mul3A_287 : vector<16xf32>
        %swap3A_289 = arith.index_cast %scan3A_161 : i32 to index
        %swap3A_290 = arith.constant 160 : index
        %swap3A_291 = tpu.vector_load %arg13[%swap3A_289, %swap3A_290] {strides = array<i32>} : memref<16x256xf32, #tpu.memory_space<vmem>>, vector<1x16xf32>,
        %swap3A_292 = vector.shape_cast %swap3A_291 : vector<1x16xf32> to vector<16xf32>
        %swap3A_293 = vector.shape_cast %add3A_288 : vector<16xf32> to vector<1x16xf32>
        tpu.vector_store %arg13[%swap3A_289, %swap3A_290], %swap3A_293 {strides = array<i32>} : memref<16x256xf32, #tpu.memory_space<vmem>>, vector<1x16xf32>,
        %get3A_294 = arith.index_cast %scan3A_161 : i32 to index
        %get3A_295 = arith.constant 176 : index
        %get3A_296 = tpu.vector_load %arg13[%get3A_294, %get3A_295] {strides = array<i32>} : memref<16x256xf32, #tpu.memory_space<vmem>>, vector<1x16xf32>,
        %get3A_297 = vector.shape_cast %get3A_296 : vector<1x16xf32> to vector<16xf32>
        %sub3A_298 = arith.subf %get3A_61, %get3A_297 : vector<16xf32>
        %mul3A_299 = arith.mulf %gather3A_163, %sub3A_298 : vector<16xf32>
        %add3A_300 = arith.addf %get3A_297, %mul3A_299 : vector<16xf32>
        %swap3A_301 = arith.index_cast %scan3A_161 : i32 to index
        %swap3A_302 = arith.constant 176 : index
        %swap3A_303 = tpu.vector_load %arg13[%swap3A_301, %swap3A_302] {strides = array<i32>} : memref<16x256xf32, #tpu.memory_space<vmem>>, vector<1x16xf32>,
        %swap3A_304 = vector.shape_cast %swap3A_303 : vector<1x16xf32> to vector<16xf32>
        %swap3A_305 = vector.shape_cast %add3A_300 : vector<16xf32> to vector<1x16xf32>
        tpu.vector_store %arg13[%swap3A_301, %swap3A_302], %swap3A_305 {strides = array<i32>} : memref<16x256xf32, #tpu.memory_space<vmem>>, vector<1x16xf32>,
        %get3A_306 = arith.index_cast %scan3A_161 : i32 to index
        %get3A_307 = arith.constant 192 : index
        %get3A_308 = tpu.vector_load %arg13[%get3A_306, %get3A_307] {strides = array<i32>} : memref<16x256xf32, #tpu.memory_space<vmem>>, vector<1x16xf32>,
        %get3A_309 = vector.shape_cast %get3A_308 : vector<1x16xf32> to vector<16xf32>
        %sub3A_310 = arith.subf %get3A_64, %get3A_309 : vector<16xf32>
        %mul3A_311 = arith.mulf %gather3A_163, %sub3A_310 : vector<16xf32>
        %add3A_312 = arith.addf %get3A_309, %mul3A_311 : vector<16xf32>
        %swap3A_313 = arith.index_cast %scan3A_161 : i32 to index
        %swap3A_314 = arith.constant 192 : index
        %swap3A_315 = tpu.vector_load %arg13[%swap3A_313, %swap3A_314] {strides = array<i32>} : memref<16x256xf32, #tpu.memory_space<vmem>>, vector<1x16xf32>,
        %swap3A_316 = vector.shape_cast %swap3A_315 : vector<1x16xf32> to vector<16xf32>
        %swap3A_317 = vector.shape_cast %add3A_312 : vector<16xf32> to vector<1x16xf32>
        tpu.vector_store %arg13[%swap3A_313, %swap3A_314], %swap3A_317 {strides = array<i32>} : memref<16x256xf32, #tpu.memory_space<vmem>>, vector<1x16xf32>,
        %get3A_318 = arith.index_cast %scan3A_161 : i32 to index
        %get3A_319 = arith.constant 208 : index
        %get3A_320 = tpu.vector_load %arg13[%get3A_318, %get3A_319] {strides = array<i32>} : memref<16x256xf32, #tpu.memory_space<vmem>>, vector<1x16xf32>,
        %get3A_321 = vector.shape_cast %get3A_320 : vector<1x16xf32> to vector<16xf32>
        %sub3A_322 = arith.subf %get3A_67, %get3A_321 : vector<16xf32>
        %mul3A_323 = arith.mulf %gather3A_163, %sub3A_322 : vector<16xf32>
        %add3A_324 = arith.addf %get3A_321, %mul3A_323 : vector<16xf32>
        %swap3A_325 = arith.index_cast %scan3A_161 : i32 to index
        %swap3A_326 = arith.constant 208 : index
        %swap3A_327 = tpu.vector_load %arg13[%swap3A_325, %swap3A_326] {strides = array<i32>} : memref<16x256xf32, #tpu.memory_space<vmem>>, vector<1x16xf32>,
        %swap3A_328 = vector.shape_cast %swap3A_327 : vector<1x16xf32> to vector<16xf32>
        %swap3A_329 = vector.shape_cast %add3A_324 : vector<16xf32> to vector<1x16xf32>
        tpu.vector_store %arg13[%swap3A_325, %swap3A_326], %swap3A_329 {strides = array<i32>} : memref<16x256xf32, #tpu.memory_space<vmem>>, vector<1x16xf32>,
        %get3A_330 = arith.index_cast %scan3A_161 : i32 to index
        %get3A_331 = arith.constant 224 : index
        %get3A_332 = tpu.vector_load %arg13[%get3A_330, %get3A_331] {strides = array<i32>} : memref<16x256xf32, #tpu.memory_space<vmem>>, vector<1x16xf32>,
        %get3A_333 = vector.shape_cast %get3A_332 : vector<1x16xf32> to vector<16xf32>
        %sub3A_334 = arith.subf %get3A_70, %get3A_333 : vector<16xf32>
        %mul3A_335 = arith.mulf %gather3A_163, %sub3A_334 : vector<16xf32>
        %add3A_336 = arith.addf %get3A_333, %mul3A_335 : vector<16xf32>
        %swap3A_337 = arith.index_cast %scan3A_161 : i32 to index
        %swap3A_338 = arith.constant 224 : index
        %swap3A_339 = tpu.vector_load %arg13[%swap3A_337, %swap3A_338] {strides = array<i32>} : memref<16x256xf32, #tpu.memory_space<vmem>>, vector<1x16xf32>,
        %swap3A_340 = vector.shape_cast %swap3A_339 : vector<1x16xf32> to vector<16xf32>
        %swap3A_341 = vector.shape_cast %add3A_336 : vector<16xf32> to vector<1x16xf32>
        tpu.vector_store %arg13[%swap3A_337, %swap3A_338], %swap3A_341 {strides = array<i32>} : memref<16x256xf32, #tpu.memory_space<vmem>>, vector<1x16xf32>,
        %get3A_342 = arith.index_cast %scan3A_161 : i32 to index
        %get3A_343 = arith.constant 240 : index
        %get3A_344 = tpu.vector_load %arg13[%get3A_342, %get3A_343] {strides = array<i32>} : memref<16x256xf32, #tpu.memory_space<vmem>>, vector<1x16xf32>,
        %get3A_345 = vector.shape_cast %get3A_344 : vector<1x16xf32> to vector<16xf32>
        %sub3A_346 = arith.subf %get3A_73, %get3A_345 : vector<16xf32>
        %mul3A_347 = arith.mulf %gather3A_163, %sub3A_346 : vector<16xf32>
        %add3A_348 = arith.addf %get3A_345, %mul3A_347 : vector<16xf32>
        %swap3A_349 = arith.index_cast %scan3A_161 : i32 to index
        %swap3A_350 = arith.constant 240 : index
        %swap3A_351 = tpu.vector_load %arg13[%swap3A_349, %swap3A_350] {strides = array<i32>} : memref<16x256xf32, #tpu.memory_space<vmem>>, vector<1x16xf32>,
        %swap3A_352 = vector.shape_cast %swap3A_351 : vector<1x16xf32> to vector<16xf32>
        %swap3A_353 = vector.shape_cast %add3A_348 : vector<16xf32> to vector<1x16xf32>
        tpu.vector_store %arg13[%swap3A_349, %swap3A_350], %swap3A_353 {strides = array<i32>} : memref<16x256xf32, #tpu.memory_space<vmem>>, vector<1x16xf32>,
      }
      %scan3A_154 = arith.constant 16 : i32
      %dma_start3A_155 = arith.constant 0 : i32
      %dma_start3A_156 = tpu.memref_slice %arg7[%add3A_98, %dma_start3A_155] : memref<4096x256xf32, #tpu.memory_space<hbm>> -> memref<16x256xf32, #tpu.memory_space<hbm>>
      %dma_start3A_157 = arith.constant 0 : i32
      %dma_start3A_158 = tpu.memref_slice %arg7[%add3A_98, %dma_start3A_157] : memref<4096x256xf32, #tpu.memory_space<hbm>> -> memref<16x256xf32, #tpu.memory_space<hbm>>
      tpu.enqueue_dma source(%arg13 : memref<16x256xf32, #tpu.memory_space<vmem>>) target(%dma_start3A_158 : memref<16x256xf32, #tpu.memory_space<hbm>>) target_semaphore(%arg18 : memref<!tpu.dma_semaphore, #tpu.memory_space<semaphore_mem>>)
      %lt3A = arith.constant 3 : i32
      %lt3A_159 = arith.cmpi slt, %scan3A_91, %lt3A : i32
      %convert_element_type3A = arith.extui %lt3A_159 : i1 to i32
      %cond3A = arith.constant 0 : i32
      %cond3A_160 = arith.cmpi ne, %convert_element_type3A, %cond3A : i32
      scf.if %cond3A_160 {
        %dma_wait3A_161 = arith.constant 0 : i32
        %dma_wait3A_162 = tpu.memref_slice %arg7[%add3A_96, %dma_wait3A_161] : memref<4096x256xf32, #tpu.memory_space<hbm>> -> memref<16x256xf32, #tpu.memory_space<hbm>>
        %dma_wait3A_163 = arith.constant 0 : i32
        %dma_wait3A_164 = tpu.memref_slice %arg7[%add3A_96, %dma_wait3A_163] : memref<4096x256xf32, #tpu.memory_space<hbm>> -> memref<16x256xf32, #tpu.memory_space<hbm>>
        tpu.wait_dma2 semaphore(%arg17 : memref<!tpu.dma_semaphore, #tpu.memory_space<semaphore_mem>>) src(%arg12 : memref<16x256xf32, #tpu.memory_space<vmem>>) dst(%dma_wait3A_164 : memref<16x256xf32, #tpu.memory_space<hbm>>)
        %add3A_165 = arith.constant 32 : i32
        %add3A_166 = arith.addi %add3A_96, %add3A_165 : i32
        %dma_start3A_167 = arith.constant 0 : i32
        %dma_start3A_168 = tpu.memref_slice %arg3[%add3A_166, %dma_start3A_167] : memref<4096x256xf32, #tpu.memory_space<hbm>> -> memref<16x256xf32, #tpu.memory_space<hbm>>
        %dma_start3A_169 = arith.constant 0 : i32
        %dma_start3A_170 = tpu.memref_slice %arg3[%add3A_166, %dma_start3A_169] : memref<4096x256xf32, #tpu.memory_space<hbm>> -> memref<16x256xf32, #tpu.memory_space<hbm>>
        tpu.enqueue_dma source(%dma_start3A_170 : memref<16x256xf32, #tpu.memory_space<hbm>>) target(%arg12 : memref<16x256xf32, #tpu.memory_space<vmem>>) target_semaphore(%arg15 : memref<!tpu.dma_semaphore, #tpu.memory_space<semaphore_mem>>)
        %dma_wait3A_171 = arith.constant 0 : i32
        %dma_wait3A_172 = tpu.memref_slice %arg7[%add3A_98, %dma_wait3A_171] : memref<4096x256xf32, #tpu.memory_space<hbm>> -> memref<16x256xf32, #tpu.memory_space<hbm>>
        %dma_wait3A_173 = arith.constant 0 : i32
        %dma_wait3A_174 = tpu.memref_slice %arg7[%add3A_98, %dma_wait3A_173] : memref<4096x256xf32, #tpu.memory_space<hbm>> -> memref<16x256xf32, #tpu.memory_space<hbm>>
        tpu.wait_dma2 semaphore(%arg18 : memref<!tpu.dma_semaphore, #tpu.memory_space<semaphore_mem>>) src(%arg13 : memref<16x256xf32, #tpu.memory_space<vmem>>) dst(%dma_wait3A_174 : memref<16x256xf32, #tpu.memory_space<hbm>>)
        %add3A_175 = arith.constant 32 : i32
        %add3A_176 = arith.addi %add3A_98, %add3A_175 : i32
        %dma_start3A_177 = arith.constant 0 : i32
        %dma_start3A_178 = tpu.memref_slice %arg3[%add3A_176, %dma_start3A_177] : memref<4096x256xf32, #tpu.memory_space<hbm>> -> memref<16x256xf32, #tpu.memory_space<hbm>>
        %dma_start3A_179 = arith.constant 0 : i32
        %dma_start3A_180 = tpu.memref_slice %arg3[%add3A_176, %dma_start3A_179] : memref<4096x256xf32, #tpu.memory_space<hbm>> -> memref<16x256xf32, #tpu.memory_space<hbm>>
        tpu.enqueue_dma source(%dma_start3A_180 : memref<16x256xf32, #tpu.memory_space<hbm>>) target(%arg13 : memref<16x256xf32, #tpu.memory_space<vmem>>) target_semaphore(%arg16 : memref<!tpu.dma_semaphore, #tpu.memory_space<semaphore_mem>>)
      } else {
      }
    }
    %scan3A_78 = arith.constant 4 : i32
    %add3A_79 = arith.constant 96 : i32
    %add3A_80 = arith.addi %mul3A_2, %add3A_79 : i32
    %add3A_81 = arith.constant 112 : i32
    %add3A_82 = arith.addi %mul3A_2, %add3A_81 : i32
    %dma_wait3A_83 = arith.constant 0 : i32
    %dma_wait3A_84 = tpu.memref_slice %arg7[%add3A_80, %dma_wait3A_83] : memref<4096x256xf32, #tpu.memory_space<hbm>> -> memref<16x256xf32, #tpu.memory_space<hbm>>
    %dma_wait3A_85 = arith.constant 0 : i32
    %dma_wait3A_86 = tpu.memref_slice %arg7[%add3A_80, %dma_wait3A_85] : memref<4096x256xf32, #tpu.memory_space<hbm>> -> memref<16x256xf32, #tpu.memory_space<hbm>>
    tpu.wait_dma2 semaphore(%arg17 : memref<!tpu.dma_semaphore, #tpu.memory_space<semaphore_mem>>) src(%arg12 : memref<16x256xf32, #tpu.memory_space<vmem>>) dst(%dma_wait3A_86 : memref<16x256xf32, #tpu.memory_space<hbm>>)
    %dma_wait3A_87 = arith.constant 0 : i32
    %dma_wait3A_88 = tpu.memref_slice %arg7[%add3A_82, %dma_wait3A_87] : memref<4096x256xf32, #tpu.memory_space<hbm>> -> memref<16x256xf32, #tpu.memory_space<hbm>>
    %dma_wait3A_89 = arith.constant 0 : i32
    %dma_wait3A_90 = tpu.memref_slice %arg7[%add3A_82, %dma_wait3A_89] : memref<4096x256xf32, #tpu.memory_space<hbm>> -> memref<16x256xf32, #tpu.memory_space<hbm>>
    tpu.wait_dma2 semaphore(%arg18 : memref<!tpu.dma_semaphore, #tpu.memory_space<semaphore_mem>>) src(%arg13 : memref<16x256xf32, #tpu.memory_space<vmem>>) dst(%dma_wait3A_90 : memref<16x256xf32, #tpu.memory_space<hbm>>)
    return
  }
}

</mosaic_0001>

<sc_bundles>
// kernel: kernel.3.cloned.1.call-start
scs
__scs_entry_jumppad:
0x0: {  	(pc) =	sbr.rel $0x88, $3  }
0x1: {  	(tag) =	ssettag $0x0;
	lr =	simm.s32 $0x1  }
0x2: {  	[smem:$0x3F9B] =	sst lr;
	_ =	strace $0xD0000000  }
0x3: {  	_ = 	snop  }
0x4: {  	_ = 	snop  }
0x5: {  	_ = 	snop  }
0x6: {  	_ = 	snop  }
0x7: {  	_ = 	snop  }
__scs_overlays_trampoline_lowered:
0x8: {  	[smem:$0x3FAA] =	sst s0  }
0x9: {  	[smem:$0x3FAB] =	sst s1  }
0xa: {  	[smem:$0x3FAC] =	sst s2  }
0xb: {  	[smem:$0x3FAD] =	sst s3  }
0xc: {  	[smem:$0x3FAE] =	sst s4  }
0xd: {  	[smem:$0x3FAF] =	sst s5  }
0xe: {  	[smem:$0x3FB0] =	sst s6  }
0xf: {  	[smem:$0x3FB1] =	sst s7  }
0x10: {  	[smem:$0x3FB2] =	sst s8  }
0x11: {  	[smem:$0x3FB3] =	sst s9;
	s0 =	simm.s32 @!p0 $0x0  }
0x12: {  	s1 =	sld [smem:$0x3F99];
	s0 =	simm.s32 @p0 $0x1  }
0x13: {  	[smem:$0x3FB4] =	sst s0;
	s0 =	simm.s32 @!p1 $0x0  }
0x14: {  	s2 =	sld [smem:$0x3F98];
	s0 =	simm.s32 @p1 $0x1  }
0x15: {  	[smem:$0x3FB5] =	sst s0;
	s0 =	simm.s32 @!p2 $0x0  }
0x16: {  	s3 =	sld [smem:$0x3FDB];
	s0 =	simm.s32 @p2 $0x1  }
0x17: {  	s4 =	simm.s32 $0x1BF5;
	[smem:$0x3FB7] =	sst s0  }
0x18: {  	s0 =	sld [smem:$0x3F9A];
	_ =	swait.ge [sflag:s4], $0x0  }
0x19: {  	s7 =	sld [smem:$0x3F9B]  }
0x1a: {  	s8 =	sadd.s32 $0xFFFFE003, lr  }
0x1b: {  	s9 =	sadd.s32 $0xFFFFFEF7, lr;
	s5 =	simm.s32 $0xFFFFFFFF;
	p2 =	slt.u32 s8, $0xFFFFF086  }
0x1c: {  	p1 =	slt.u32 s9, $0xF7A;
	s5 =	simm.s32 @!p2 $0x0  }
0x1d: {  	s5 =	simm.s32 @p1 $0x1;
	p0 =	seq.s32 s7, s2  }
0x1e: {  	s7 =	smul.u32 @!p0 $0xF7A, s2;
	p2 =	seq.s32 @!p0 s5, $0x0  }
0x1f: {  	s9 =	smul.u32 $0xF7A, s1;
	s8 =	simm.s32 @!p0 $0x1BF5;
	p2 =	por !p2, p0  }
0x20: {  	[sflag:s8] =	ssyncset.s32 @!p0 $0xFFFFF086;
	s6 =	sadd.s32 @!p0 s3, s7;
	s7 =	simm.s32 @!p0 $0x108  }
0x21: {  	s3 =	sadd.s32 s3, s9;
	s6 =	sadd.s32 @!p0 $0x88, s6;
	s7 =	simm.s32 @p2 $0x1082  }
0x22: {  	[simem:s7], [sflag:s8] =	dma.local @!p0 [hbm:s6], $0xF7A  }
0x23: {  	s9 =	sor.u32 $0xD0000000, s2;
	s6 =	simm.s32 $0x108;
	_ =	swait.ge @!p0 [sflag:s8], $0x0  }
0x24: {  	s3 =	sadd.s32 $0x88, s3;
	s6 =	simm.s32 @!p1 $0x1082;
	[sflag:s4] =	ssyncset.s32 $0xFFFFF086  }
0x25: {  	[simem:s6], [sflag:s4] =	dma.local [hbm:s3], $0xF7A  }
0x26: {  	[smem:$0x3F9B] =	sst s1;
	(tag) =	ssettag s2;
	_ =	strace s9  }
0x27: {  	s1 =	sld [smem:$0x3FAB]  }
0x28: {  	s2 =	sld [smem:$0x3FAC]  }
0x29: {  	s4 =	sld [smem:$0x3FAE]  }
0x2a: {  	p0 =	seq.s32 s5, $0x0;
	s5 =	sld [smem:$0x3FAF]  }
0x2b: {  	s6 =	sld [smem:$0x3FB0]  }
0x2c: {  	s7 =	sld [smem:$0x3FB1]  }
0x2d: {  	s3 =	simm.s32 $0x108;
	s8 =	sld [smem:$0x3FB2]  }
0x2e: {  	s3 =	simm.s32 @!p0 $0x1082;
	s9 =	sld [smem:$0x3FB3]  }
0x2f: {  	lr =	sadd.s32 s0, s3;
	s0 =	sld [smem:$0x3FAA]  }
0x30: {  	s3 =	sld [smem:$0x3FAD]  }
0x31: {  	[smem:$0x3FB6] =	sst s10  }
0x32: {  	s10 =	sld [smem:$0x3FB4];
	_ =	sdelay $0x3  }
0x33: {  	p0 =	seq.s32 s10, $0x1;
	s10 =	sld [smem:$0x3FB6];
	_ =	sdelay $0x3  }
0x34: {  	[smem:$0x3FB6] =	sst s10  }
0x35: {  	s10 =	sld [smem:$0x3FB5];
	_ =	sdelay $0x3  }
0x36: {  	p1 =	seq.s32 s10, $0x1;
	s10 =	sld [smem:$0x3FB6];
	_ =	sdelay $0x3  }
0x37: {  	[smem:$0x3FB6] =	sst s10  }
0x38: {  	s10 =	sld [smem:$0x3FB7]  }
0x39: {  	_ = 	snop;
	(pc) =	sbr.ind lr, $3  }
0x3a: {  	_ = 	snop  }
0x3b: {  	_ = 	snop  }
0x3c: {  	p2 =	seq.s32 s10, $0x1;
	s10 =	sld [smem:$0x3FB6]  }
0x3d: {  	_ =	shalt  }
0x3e: {  	_ =	shalt  }
0x3f: {  	_ =	shalt  }
0x40: {  	_ =	shalt  }
0x41: {  	_ =	shalt  }
0x42: {  	_ =	shalt  }
0x43: {  	_ =	shalt  }
0x44: {  	_ =	shalt  }
0x45: {  	_ =	shalt  }
0x46: {  	_ =	shalt  }
0x47: {  	_ =	shalt  }
0x48: {  	_ =	shalt  }
0x49: {  	_ =	shalt  }
0x4a: {  	_ =	shalt  }
0x4b: {  	_ =	shalt  }
0x4c: {  	_ =	shalt  }
0x4d: {  	_ =	shalt  }
0x4e: {  	_ =	shalt  }
0x4f: {  	_ =	shalt  }
0x50: {  	_ =	shalt  }
0x51: {  	_ =	shalt  }
0x52: {  	_ =	shalt  }
0x53: {  	_ =	shalt  }
0x54: {  	_ =	shalt  }
0x55: {  	_ =	shalt  }
0x56: {  	_ =	shalt  }
0x57: {  	_ =	shalt  }
0x58: {  	_ =	shalt  }
0x59: {  	_ =	shalt  }
0x5a: {  	_ =	shalt  }
0x5b: {  	_ =	shalt  }
0x5c: {  	_ =	shalt  }
0x5d: {  	_ =	shalt  }
0x5e: {  	_ =	shalt  }
0x5f: {  	_ =	shalt  }
0x60: {  	_ =	shalt  }
0x61: {  	_ =	shalt  }
0x62: {  	_ =	shalt  }
0x63: {  	_ =	shalt  }
0x64: {  	_ =	shalt  }
0x65: {  	_ =	shalt  }
0x66: {  	_ =	shalt  }
0x67: {  	_ =	shalt  }
0x68: {  	_ =	shalt  }
0x69: {  	_ =	shalt  }
0x6a: {  	_ =	shalt  }
0x6b: {  	_ =	shalt  }
0x6c: {  	_ =	shalt  }
0x6d: {  	_ =	shalt  }
0x6e: {  	_ =	shalt  }
0x6f: {  	_ =	shalt  }
0x70: {  	_ =	shalt  }
0x71: {  	_ =	shalt  }
0x72: {  	_ =	shalt  }
0x73: {  	_ =	shalt  }
0x74: {  	_ =	shalt  }
0x75: {  	_ =	shalt  }
0x76: {  	_ =	shalt  }
0x77: {  	_ =	shalt  }
0x78: {  	_ =	shalt  }
0x79: {  	_ =	shalt  }
0x7a: {  	_ =	shalt  }
0x7b: {  	_ =	shalt  }
0x7c: {  	_ =	shalt  }
0x7d: {  	_ =	shalt  }
0x7e: {  	_ =	shalt  }
0x7f: {  	_ =	shalt  }
0x80: {  	_ =	shalt  }
0x81: {  	_ =	shalt  }
0x82: {  	_ =	shalt  }
0x83: {  	_ =	shalt  }
0x84: {  	_ =	shalt  }
0x85: {  	_ =	shalt  }
0x86: {  	_ =	shalt  }
0x87: {  	_ =	shalt  }
.Lfunc_end0:
.L_simem_size_0:
called_computation_lowered:
.L_overlay_start_0:
0x88: {  	s2 =	sld [smem:$0x3FD9]  }
0x89: {  	s3 =	sld [smem:$0x3FFE];
	_ =	sdelay $0x1  }
0x8a: {  	s1 =	srdreg.scid  }
0x8b: {  	s0 =	sand.u32 $0x1, s1  }
0x8c: {  	s17 =	sshll.u32 s0, $0xA;
	s2 =	sadd.s32 s3, s2  }
0x8d: {  	s2 =	sadd.s32 s2, s17  }
0x8e: {  	[smem:$0x3FC2] =	sst s2  }
0x8f: {  	_ = 	snop  }
0x90: {  	s2 =	sld [smem:$0x3FC9]  }
0x91: {  	s18 =	sld [smem:$0x3FC8]  }
0x92: {  	s4 =	sld [smem:$0x3FC7]  }
0x93: {  	s5 =	sld [smem:$0x3FD0];
	(tm) =	ssettm $0x1  }
0x94: {  	s6 =	sld [smem:$0x3FFB];
	_ =	sdelay $0x3  }
0x95: {  	_ =	strace s6  }
0x96: {  	s6 =	sld [smem:$0x3FFC];
	_ =	sdelay $0x3  }
0x97: {  	_ =	strace s6  }
0x98: {  	s6 =	sld [smem:$0x3FFD];
	_ =	sdelay $0x3  }
0x99: {  	_ =	strace s6  }
0x9a: {  	_ =	strace $0x8FFFFFFF  }
0x9b: {  	s19 =	sld [smem:$0x3FDB];
	_ =	sdelay $0x1  }
0x9c: {  	s7 =	simm.s32 $_scs_section_size  }
0x9d: {  	s8 =	simm.s32 $_size__tile_overlayer_lowered;
	s9 =	simm.s32 $_tile_overlayer_lowered  }
0x9e: {  	s22 =	simm.s32 $0x1BFF;
	s21 =	sshll.u32 s9, $0x1;
	s6 =	sadd.s32 s7, s19  }
0x9f: {  	s10 =	simm.s32 $0x0;
	s20 =	sshll.u32 s8, $0x1;
	s8 =	sadd.s32 s21, s6  }
0xa0: {  	[timem:s10], [sflag:s22] =	dma.local [hbm:s8], s20  }
0xa1: {  	_ =	swait.ge [sflag:s22], s20  }
0xa2: {  	s7 =	ssub.s32 $0x0, s20;
	[sflag:s22] =	ssyncset.done $0x0  }
0xa3: {  	[sflag:s22] =	ssyncadd.s32 s7;
	_ =	sdelay $0x1  }
0xa4: {  	s23 =	simm.s32 $0x1B8B  }
0xa5: {  	_ =	swait.ge [sflag:s23], $0x1  }
0xa6: {  	[sflag:s23] =	ssyncset.done $0x0  }
0xa7: {  	s25 =	simm.s32 $0x1B8E;
	s24 =	sld [smem:$0x3FFE];
	[sflag:s23] =	ssyncadd.s32 $0xFFFFFFFF  }
0xa8: {  	s26 =	simm.s32 $execute0_lowered;
	[smem:$0x3FD2] =	sst s25  }
0xa9: {  	s8 =	sshll.u32 s26, $0x1;
	_ =	strace $0x80000046;
	[dreg:$0x1] =	wrdreg $0xFFFFFFFF  }
0xaa: {  	s28 =	simm.s32 $_size_execute0_lowered;
	s6 =	sadd.s32 s6, s8;
	[dreg:$0x0] =	wrdreg $0x0  }
0xab: {  	s8 =	sshll.u32 s28, $0x1;
	[dreg:$0x2] =	wrdreg s6  }
0xac: {  	[dreg:$0x3] =	wrdreg s8  }
0xad: {  	[dreg:$0x4] =	wrdreg $0xC0  }
0xae: {  	_ =	task [dreg:s10], $0x5FFFF  }
0xaf: {  	[dreg:$0x1] =	wrdreg $0xFFFFFFFF  }
0xb0: {  	[dreg:$0x0] =	wrdreg $0x60  }
0xb1: {  	[dreg:$0x2] =	wrdreg s2  }
0xb2: {  	[dreg:$0x3] =	wrdreg s18  }
0xb3: {  	[dreg:$0x4] =	wrdreg s4  }
0xb4: {  	[dreg:$0x5] =	wrdreg s24  }
0xb5: {  	[dreg:$0x6] =	wrdreg s5  }
0xb6: {  	[dreg:$0x7] =	wrdreg $0x9  }
0xb7: {  	_ =	task.clear_ibuf [dreg:s10], $0x8FFFF;
	_ =	strace $0x90000046  }
0xb8: {  	s29 =	simm.s32 $0x9;
	_ =	strace $0x80000048  }
0xb9: {  	_ =	swait.ge [sflag:s29], $0x1  }
0xba: {  	[sflag:s29] =	ssyncadd.s32 $0xFFFFFFFF  }
0xbb: {  	_ =	strace $0x90000048  }
0xbc: {  	_ =	sfence  }
0xbd: {  	s30 =	sld [smem:$0x0];
	_ =	sdelay $0x2  }
0xbe: {  	s31 =	sshll.u32 s1, $0xD;
	s1 =	sshrl.u32 s1, $0x2  }
0xbf: {  	s3 =	sand.u32 $0x4000, s31;
	s1 =	sadd.s32 s1, s30  }
0xc0: {  	s0 =	sor.u32 s3, s0;
	s1 =	sshll.u32 s1, $0x11  }
0xc1: {  	s0 =	sor.u32 s1, s0  }
0xc2: {  	s0 =	sadd.s32 $0x8F2B, s0  }
0xc3: {  	[sflag:s0] =	ssyncadd.remote.s32 $0x1  }
0xc4: {  	_ =	sfence.sel $0xFFFF  }
0xc5: {  	[dreg:$0x0] =	wrdreg $0xFFFFFFFF;
	(pc) =	sbr.abs _section_cstart, $3  }
0xc6: {  	[dreg:$0x1] =	wrdreg $0xFFFFFFFF  }
0xc7: {  	_ =	task.clear_ibuf [dreg:s10], $0x2FFFF;
	_ =	strace $0x9FFFFFFF  }
0xc8: {  	(tm) =	ssettm $0x7FFFFFFF  }
0xc9: {  	_ =	shalt  }
tec
execute0_lowered:
.L_overlay_start_1:
0x0: {  	(tag) =	ssettag $0x1  }
0x1: {  	s0 =	rddreg [dreg:$0x1]  }
0x2: {  	s9 =	rddreg [dreg:$0x2]  }
0x3: {  	s1 =	rddreg [dreg:$0x3]  }
0x4: {  	s3 =	rddreg [dreg:$0x4]  }
0x5: {  	s5 =	simm.s32 $0x0;
	s2 =	srdreg.scid;
	s4 =	stileid.u32  }
0x6: {  	s16 =	simm.s32 $0x6;
	s19 =	simm.s32 $0x180;
	s20 =	simm.s32 $0x1200  }
0x7: {  	s21 =	simm.s32 $0x2200;
	s22 =	simm.s32 $0x1;
	s23 =	simm.s32 $0x2  }
0x8: {  	s24 =	simm.s32 $0x3;
	s25 =	simm.s32 $0x4;
	s26 =	simm.s32 $0x5  }
0x9: {  	s28 =	simm.s32 $0x0;
	[smem:$0x7FF] =	sst s5;
	s2 =	sand.u32 $0x1, s2  }
0xa: {  	s4 =	sshll.u32 s4, $0x8;
	s6 =	sadd.s32 $0x600, s1;
	s8 =	sadd.s32 $0x400, s1  }
.Ltmp0:
0xb: {  	s9 =	sadd.s32 $0x800, s9;
	s7 =	sshll.u32 s2, $0x7;
	(pc) =	sbr.rel .LBB2_1-.Ltmp0, $4  }
0xc: {  	s12 =	sadd.s32 $0x400, s0;
	s2 =	ssub.s32 $0x2, s2;
	s7 =	sor.u32 s7, s4  }
0xd: {  	s13 =	sadd.s32 $0x600, s0;
	s30 =	sshrl.u32 s2, $0x1;
	s4 =	sshll.u32 s7, $0x5  }
0xe: {  	v0 =	vimm.s32 $0x0;
	v1 =	vlaneseq.u32;
	s1 =	ssub.s32 s2, s30;
	s31 =	sadd.s32 $0x200, s7;
	s10 =	sadd.s32 s0, s4  }
0xf: {  	vm0 =	vmmov $0xffff;
	v2 =	vmul.u32 $0x8, v1;
	_ =	strace $0x80000047;
	s14 =	smax.u32 s1, $0x1;
	v3 =	vmov s31;
	s11 =	sadd.s32 $0x200, s10  }
.LBB2_8:
0x10: {  	s28 =	sadd.s32 $0x1, s28  }
0x11: {  	p0 =	sne.s32 s28, s14  }
.Ltmp1:
0x12: {  	_ = 	snop;
	(pc) =	sbr.rel @!p0 .LBB2_9-.Ltmp1, $4  }
0x13: {  	_ = 	snop  }
0x14: {  	_ =	swait.ge [sflag:s26], $0x1000  }
0x15: {  	[sflag:s26] =	ssyncset.done $0x0  }
0x16: {  	[sflag:s26] =	ssyncadd.s32 $0xFFFFF000  }
.LBB2_1:
0x17: {  	s0 =	simm.s32 $0x100  }
0x18: {  	[tilespmem:s0], [sflag:$0x6] =	stream.linear.gather [hbm4b:s6+s5], $0x80, $0x38;
	[tilespmem:$0x3200] =	vst v63  }
0x19: {  	_ =	swait.ge [sflag:s16], $0x80  }
0x1a: {  	[sflag:s16] =	ssyncset.done $0x0  }
0x1b: {  	[sflag:s16] =	ssyncadd.s32 $0xFFFFFF80  }
0x1c: {  	v4 =	vld.msk [tilespmem:$0x100], $0x1;
	_ =	sdelay $0x4  }
0x1d: {  	v5 =	vshll.u32 v4, $0x5  }
0x1e: {  	v4 =	vand.u32 $0x7, v4;
	v5 =	vand.u32 $0xFFFFFF00, v5  }
0x1f: {  	v4 =	vor.u32 v4, v5  }
0x20: {  	v4 =	vperm.xlane v4, v0;
	_ =	sdelay $0x1  }
0x21: {  	v4 =	vadd.s32 v2, v4;
	_ =	sdelay $0x3  }
0x22: {  	s1 =	simm.s32 $0x200;
	s18 =	rddreg [dreg:$0x2]  }
0x23: {  	[tilespmem:s1], [sflag:$0x1] =	stream.indirect_vreg.gather [hbm4b:s18+s5], $0x80, v4, vm0, $0xb8;
	[tilespmem:$0x3200] =	vst v63  }
0x24: {  	s30 =	simm.s32 $0xA00  }
0x25: {  	[tilespmem:s30], [sflag:$0x1] =	stream.indirect_vreg.gather [hbm4b:s9+s5], $0x80, v4, vm0, $0xb8;
	[tilespmem:$0x3200] =	vst v63  }
0x26: {  	_ = 	snop  }
0x27: {  	[tilespmem:s19], [sflag:$0x6] =	stream.linear.gather [hbm4b:s8+s5], $0x80, $0x38;
	[tilespmem:$0x3200] =	vst v63  }
0x28: {  	_ =	swait.ge [sflag:s16], $0x80  }
0x29: {  	[sflag:s16] =	ssyncset.done $0x0  }
0x2a: {  	[sflag:s16] =	ssyncadd.s32 $0xFFFFFF80  }
0x2b: {  	s31 =	rddreg [dreg:$0x0]  }
0x2c: {  	[tilespmem:s5], [sflag:$0x6] =	stream.linear.gather [hbm4b:s31+s5], $0x100, $0x38;
	[tilespmem:$0x3200] =	vst v63  }
0x2d: {  	_ =	swait.ge [sflag:s16], $0x100  }
0x2e: {  	[sflag:s16] =	ssyncset.done $0x0  }
0x2f: {  	[sflag:s16] =	ssyncadd.s32 $0xFFFFFF00  }
0x30: {  	[tilespmem:s20], [sflag:$0x2] =	stream.linear.gather [hbm4b:s10+s5], $0x1000, $0x38;
	[tilespmem:$0x3200] =	vst v63  }
0x31: {  	_ = 	snop  }
0x32: {  	[tilespmem:s21], [sflag:$0x3] =	stream.linear.gather [hbm4b:s11+s5], $0x1000, $0x38;
	[tilespmem:$0x3200] =	vst v63  }
0x33: {  	v4 =	vld [tilespmem:$0x100]  }
0x34: {  	v5 =	vld [tilespmem:$0x180];
	_ =	swait.ge [sflag:s22], $0x1000  }
0x35: {  	[sflag:s22] =	ssyncset.done $0x0  }
0x36: {  	[sflag:s22] =	ssyncadd.s32 $0xFFFFF000  }
0x37: {  	v6 =	vld [tilespmem:$0x0]  }
0x38: {  	v7 =	vld [tilespmem:$0x10]  }
0x39: {  	v8 =	vld [tilespmem:$0x20]  }
0x3a: {  	v9 =	vld [tilespmem:$0x30]  }
0x3b: {  	v10 =	vld [tilespmem:$0x40]  }
0x3c: {  	v11 =	vld [tilespmem:$0x50]  }
0x3d: {  	v12 =	vld [tilespmem:$0x60]  }
0x3e: {  	v13 =	vld [tilespmem:$0x70]  }
0x3f: {  	v14 =	vld [tilespmem:$0x80]  }
0x40: {  	v15 =	vld [tilespmem:$0x90]  }
0x41: {  	v16 =	vld [tilespmem:$0xA0]  }
0x42: {  	v19 =	vld [tilespmem:$0xD0]  }
0x43: {  	v20 =	vld [tilespmem:$0xE0]  }
0x44: {  	v17 =	vld [tilespmem:$0xB0]  }
0x45: {  	v18 =	vld [tilespmem:$0xC0]  }
0x46: {  	s29 =	simm.s32 $0x0;
	v21 =	vld [tilespmem:$0xF0]  }
.LBB2_2:
0x47: {  	_ = 	snop  }
0x48: {  	_ =	swait.ge [sflag:s23], $0x1000  }
0x49: {  	[sflag:s23] =	ssyncset.done $0x0  }
0x4a: {  	s0 =	sshll.u32 s29, $0x5;
	[sflag:s23] =	ssyncadd.s32 $0xFFFFF000  }
0x4b: {  	v22 =	vld.idx.msk [tilespmem:v3+s0+$0x0 ss:$0x1], $0xffff;
	_ =	sdelay $0x1  }
0x4c: {  	s1 =	simm.s32 $0x0  }
0x4d: {  	s2 =	sand.u32 $0x800, s1;
	s4 =	sand.u32 $0x380, s1  }
0x4e: {  	s31 =	sor.u32 s7, s0;
	s30 =	sor.u32 s4, s2  }
0x4f: {  	v23 =	vor.u32 s31, v1;
	v25 =	vld [tilespmem:s30+$0x1670];
	vm1 =	vgt.f32 v22, $0.0e+00  }
0x50: {  	vm2 =	veq.s32 v23, v4;
	v22 =	vnsel vm1, $0x0, v22  }
0x51: {  	v26 =	vld [tilespmem:s30+$0x1660];
	v22 =	vsel vm2, $0x3F800000, v22  }
0x52: {  	v27 =	vld [tilespmem:s30+$0x1630];
	v24 =	vmul.f32 v22, v5  }
0x53: {  	v34 =	vld [tilespmem:s30+$0x1620];
	v22 =	vmov s1  }
0x54: {  	v36 =	vld [tilespmem:s30+$0x1600];
	v23 =	vperm.xlane v24, v22;
	v22 =	vsub.f32 v21, v25  }
0x55: {  	v37 =	vld [tilespmem:s30+$0x1250]  }
0x56: {  	v42 =	vld [tilespmem:s30+$0x1270];
	v22 =	vmul.f32 v22, v23  }
0x57: {  	v28 =	vld [tilespmem:s30+$0x1260]  }
0x58: {  	v29 =	vsub.f32 v17, v27;
	v22 =	vadd.f32 v22, v25;
	v25 =	vld [tilespmem:s30+$0x1210]  }
0x59: {  	v30 =	vld [tilespmem:s30+$0x1200];
	v31 =	vsub.f32 v20, v26;
	v33 =	vsub.f32 v14, v36  }
0x5a: {  	s15 =	simm.s32 $0x80;
	s17 =	simm.s32 $0x100;
	v38 =	vld [tilespmem:s30+$0x1640];
	v35 =	vsub.f32 v16, v34;
	v40 =	vsub.f32 v11, v37;
	v29 =	vmul.f32 v29, v23  }
0x5b: {  	s0 =	sand.u32 $0x380, s15;
	v46 =	vsub.f32 v13, v42;
	s1 =	sand.u32 $0x800, s17;
	v41 =	vmul.f32 v31, v23;
	v31 =	vld [tilespmem:s30+$0x1220];
	v44 =	vmul.f32 v33, v23  }
0x5c: {  	s0 =	sor.u32 s0, s1;
	v33 =	vld [tilespmem:s30+$0x1650];
	v35 =	vmul.f32 v35, v23;
	v27 =	vadd.f32 v29, v27;
	[tilespmem:s30+$0x1670] =	vst v22;
	v22 =	vsub.f32 v12, v28  }
0x5d: {  	v40 =	vmul.f32 v40, v23;
	v41 =	vadd.f32 v41, v26;
	v32 =	vld [tilespmem:s0+$0x1670];
	v43 =	vsub.f32 v7, v25  }
0x5e: {  	v62 =	vsub.f32 v6, v30;
	v29 =	vld [tilespmem:s30+$0x1610];
	v34 =	vadd.f32 v35, v34;
	[tilespmem:s30+$0x1630] =	vst v27;
	v39 =	vmul.f32 v22, v23  }
0x5f: {  	v26 =	vld [tilespmem:s30+$0x1240];
	v40 =	vadd.f32 v40, v37;
	v27 =	vsub.f32 v18, v38;
	[tilespmem:s30+$0x1660] =	vst v41;
	v43 =	vmul.f32 v43, v23  }
0x60: {  	s18 =	simm.s32 $0x1;
	v46 =	vmul.f32 v46, v23;
	v44 =	vadd.f32 v44, v36;
	v35 =	vld [tilespmem:s0+$0x1630];
	v39 =	vadd.f32 v39, v28  }
0x61: {  	v22 =	vmov s18;
	v63 =	vmul.f32 v27, v23;
	v27 =	vld [tilespmem:s0+$0x1660];
	[tilespmem:s30+$0x1620] =	vst v34;
	v25 =	vadd.f32 v43, v25  }
0x62: {  	v42 =	vadd.f32 v46, v42;
	v22 =	vperm.xlane v24, v22;
	v28 =	vld [tilespmem:s30+$0x1230];
	v45 =	vsub.f32 v21, v32;
	[tilespmem:s30+$0x1260] =	vst v39  }
0x63: {  	v41 =	vsub.f32 v8, v31;
	v39 =	vsub.f32 v15, v29;
	v34 =	vld [tilespmem:s0+$0x1260];
	[tilespmem:s30+$0x1210] =	vst v25  }
0x64: {  	s4 =	simm.s32 $0x2;
	s2 =	simm.s32 $0x200;
	s1 =	simm.s32 $0x100;
	v37 =	vadd.f32 v63, v38;
	v38 =	vmul.f32 v62, v23;
	v36 =	vmul.f32 v45, v22;
	v25 =	vld [tilespmem:s0+$0x1620];
	[tilespmem:s30+$0x1600] =	vst v44  }
.LBB2_3:
0x65: {  	s15 =	sand.u32 $0x800, s2;
	s17 =	sand.u32 $0x380, s1;
	p0 =	sne.s32 s4, $0xF;
	v43 =	vld [tilespmem:s0+$0x1600];
	v44 =	vsub.f32 v10, v26;
	[tilespmem:s30+$0x1250] =	vst v40;
	v39 =	vmul.f32 v39, v23;
	v40 =	vsub.f32 v19, v33  }
0x66: {  	v32 =	vadd.f32 v36, v32;
	s15 =	sor.u32 s17, s15;
	v45 =	vld [tilespmem:s0+$0x1250];
	v46 =	vsub.f32 v20, v27;
	v36 =	vmul.f32 v41, v23;
	[tilespmem:s30+$0x1270] =	vst v42;
	s17 =	smov.u32 s4;
	s4 =	sadd.s32 $0x1, s4  }
0x67: {  	v30 =	vadd.f32 v38, v30;
	v41 =	vld [tilespmem:s0+$0x1210];
	v42 =	vsub.f32 v17, v35;
	[tilespmem:s30+$0x1640] =	vst v37;
	v37 =	vmul.f32 v40, v23  }
0x68: {  	v40 =	vsub.f32 v9, v28;
	v44 =	vmul.f32 v44, v23;
	v38 =	vsub.f32 v12, v34;
	v47 =	vld [tilespmem:s0+$0x1270];
	[tilespmem:s0+$0x1670] =	vst v32  }
0x69: {  	v29 =	vadd.f32 v39, v29;
	v31 =	vadd.f32 v36, v31;
	v42 =	vmul.f32 v42, v22;
	v48 =	vld [tilespmem:s0+$0x1640];
	[tilespmem:s30+$0x1200] =	vst v30  }
0x6a: {  	v33 =	vadd.f32 v37, v33;
	v30 =	vld [tilespmem:s0+$0x1200];
	v36 =	vmul.f32 v38, v22;
	v38 =	vsub.f32 v16, v25  }
0x6b: {  	v40 =	vmul.f32 v40, v23;
	v39 =	vsub.f32 v14, v43;
	v32 =	vld [tilespmem:s15+$0x1670];
	v37 =	vsub.f32 v11, v45;
	[tilespmem:s30+$0x1220] =	vst v31  }
0x6c: {  	v23 =	vmovc v22;
	v31 =	vmov s17;
	v35 =	vadd.f32 v42, v35;
	v42 =	vmul.f32 v46, v22;
	[tilespmem:s30+$0x1650] =	vst v33  }
0x6d: {  	v28 =	vadd.f32 v40, v28;
	v22 =	vperm.xlane v24, v31;
	v33 =	vsub.f32 v7, v41;
	v31 =	vld [tilespmem:s0+$0x1220];
	[tilespmem:s30+$0x1610] =	vst v29  }
0x6e: {  	v26 =	vadd.f32 v44, v26;
	v39 =	vmul.f32 v39, v23;
	v29 =	vld [tilespmem:s0+$0x1610];
	[tilespmem:s0+$0x1630] =	vst v35;
	v35 =	vsub.f32 v18, v48  }
0x6f: {  	v34 =	vadd.f32 v36, v34;
	v27 =	vadd.f32 v42, v27;
	v40 =	vmul.f32 v33, v23;
	v33 =	vld [tilespmem:s0+$0x1650];
	[tilespmem:s30+$0x1230] =	vst v28  }
0x70: {  	v38 =	vmul.f32 v38, v23;
	v42 =	vsub.f32 v13, v47;
	v36 =	vsub.f32 v21, v32;
	v28 =	vld [tilespmem:s0+$0x1230];
	[tilespmem:s30+$0x1240] =	vst v26;
	s30 =	smov.u32 s0;
	s0 =	smov.u32 s15  }
.Ltmp2:
0x71: {  	v37 =	vmul.f32 v37, v23;
	v44 =	vsub.f32 v6, v30;
	v40 =	vadd.f32 v40, v41;
	v26 =	vld [tilespmem:s30+$0x1240];
	[tilespmem:s30+$0x1660] =	vst v27;
	(pc) =	sbr.rel @p0 .LBB2_3-.Ltmp2, $4  }
0x72: {  	v25 =	vadd.f32 v38, v25;
	v41 =	vmul.f32 v35, v23;
	v27 =	vld [tilespmem:s0+$0x1660];
	v36 =	vmul.f32 v36, v22;
	[tilespmem:s30+$0x1260] =	vst v34  }
0x73: {  	v43 =	vadd.f32 v39, v43;
	v42 =	vmul.f32 v42, v23;
	v35 =	vld [tilespmem:s0+$0x1630];
	[tilespmem:s30+$0x1210] =	vst v40;
	v40 =	vadd.f32 v37, v45  }
0x74: {  	v38 =	vmul.f32 v44, v23;
	v39 =	vsub.f32 v15, v29;
	v37 =	vadd.f32 v41, v48;
	v34 =	vld [tilespmem:s0+$0x1260];
	[tilespmem:s30+$0x1620] =	vst v25  }
0x75: {  	s1 =	sadd.s32 $0x80, s1;
	s2 =	sadd.s32 $0x100, s2;
	v42 =	vadd.f32 v42, v47;
	v41 =	vsub.f32 v8, v31;
	v25 =	vld [tilespmem:s0+$0x1620];
	[tilespmem:s30+$0x1600] =	vst v43  }
0x76: {  	[tilespmem:s30+$0x1250] =	vst v40  }
0x77: {  	v24 =	vsub.f32 v19, v33;
	v30 =	vadd.f32 v38, v30;
	[tilespmem:s30+$0x1640] =	vst v37;
	v39 =	vmul.f32 v39, v23  }
0x78: {  	v32 =	vadd.f32 v36, v32;
	v40 =	vld [tilespmem:s0+$0x1250];
	v41 =	vmul.f32 v41, v23;
	[tilespmem:s30+$0x1270] =	vst v42  }
0x79: {  	v56 =	vld [tilespmem:s0+$0x1210];
	v57 =	vsub.f32 v9, v28;
	v24 =	vmul.f32 v24, v23;
	[tilespmem:s30+$0x1200] =	vst v30;
	v29 =	vadd.f32 v39, v29  }
0x7a: {  	v58 =	vld [tilespmem:s0+$0x1600];
	v59 =	vsub.f32 v17, v35;
	[tilespmem:s0+$0x1670] =	vst v32;
	v30 =	vadd.f32 v41, v31  }
0x7b: {  	v45 =	vld [tilespmem:s0+$0x1640];
	v61 =	vmul.f32 v57, v23;
	v31 =	vsub.f32 v10, v26;
	v24 =	vadd.f32 v24, v33;
	[tilespmem:s30+$0x1610] =	vst v29  }
0x7c: {  	v62 =	vsub.f32 v20, v27;
	v60 =	vld [tilespmem:s0+$0x1200];
	v63 =	vmul.f32 v59, v22;
	[tilespmem:s30+$0x1220] =	vst v30  }
0x7d: {  	v46 =	vld [tilespmem:s0+$0x1270];
	v30 =	vsub.f32 v12, v34;
	v23 =	vmul.f32 v31, v23;
	[tilespmem:s30+$0x1650] =	vst v24;
	v24 =	vadd.f32 v61, v28  }
0x7e: {  	v31 =	vmul.f32 v62, v22;
	v47 =	vsub.f32 v7, v56;
	v49 =	vld [tilespmem:s0+$0x1610];
	v28 =	vadd.f32 v63, v35  }
0x7f: {  	v48 =	vld [tilespmem:s0+$0x1220];
	v29 =	vmul.f32 v30, v22;
	v30 =	vsub.f32 v16, v25;
	v23 =	vadd.f32 v23, v26;
	[tilespmem:s30+$0x1230] =	vst v24  }
0x80: {  	v26 =	vmul.f32 v47, v22;
	v27 =	vadd.f32 v31, v27;
	v50 =	vld [tilespmem:s0+$0x1650];
	v24 =	vsub.f32 v14, v58;
	[tilespmem:s0+$0x1630] =	vst v28  }
0x81: {  	v31 =	vsub.f32 v11, v40;
	v28 =	vld [tilespmem:s0+$0x1230];
	v29 =	vadd.f32 v29, v34;
	v30 =	vmul.f32 v30, v22;
	[tilespmem:s30+$0x1240] =	vst v23  }
0x82: {  	v26 =	vadd.f32 v26, v56;
	[tilespmem:s0+$0x1660] =	vst v27;
	v23 =	vmul.f32 v24, v22;
	v24 =	vsub.f32 v13, v46  }
0x83: {  	v27 =	vsub.f32 v18, v45;
	v31 =	vmul.f32 v31, v22;
	[tilespmem:s0+$0x1260] =	vst v29;
	v25 =	vadd.f32 v30, v25  }
0x84: {  	v51 =	vld [tilespmem:s0+$0x1240];
	v29 =	vsub.f32 v6, v60;
	[tilespmem:s0+$0x1210] =	vst v26;
	v24 =	vmul.f32 v24, v22;
	v23 =	vadd.f32 v23, v58  }
0x85: {  	v26 =	vmul.f32 v27, v22;
	v27 =	vadd.f32 v31, v40;
	v30 =	vsub.f32 v15, v49;
	[tilespmem:s0+$0x1620] =	vst v25  }
0x86: {  	v29 =	vmul.f32 v29, v22;
	v24 =	vadd.f32 v24, v46;
	[tilespmem:s0+$0x1600] =	vst v23;
	v23 =	vsub.f32 v19, v50  }
0x87: {  	v25 =	vsub.f32 v8, v48;
	v26 =	vadd.f32 v26, v45;
	[tilespmem:s0+$0x1250] =	vst v27;
	v30 =	vmul.f32 v30, v22  }
0x88: {  	v27 =	vsub.f32 v9, v28;
	[tilespmem:s0+$0x1270] =	vst v24;
	v24 =	vadd.f32 v29, v60;
	v23 =	vmul.f32 v23, v22  }
0x89: {  	v25 =	vmul.f32 v25, v22;
	[tilespmem:s0+$0x1640] =	vst v26;
	v26 =	vadd.f32 v30, v49;
	v29 =	vsub.f32 v10, v51  }
0x8a: {  	[tilespmem:s0+$0x1200] =	vst v24;
	v23 =	vadd.f32 v23, v50;
	v24 =	vmul.f32 v27, v22  }
0x8b: {  	v25 =	vadd.f32 v25, v48;
	[tilespmem:s0+$0x1610] =	vst v26;
	v22 =	vmul.f32 v29, v22  }
0x8c: {  	[tilespmem:s0+$0x1650] =	vst v23;
	v23 =	vadd.f32 v24, v28  }
0x8d: {  	[tilespmem:s0+$0x1220] =	vst v25;
	v22 =	vadd.f32 v22, v51  }
0x8e: {  	s30 =	sshll.u32 s31, $0x5;
	[tilespmem:s0+$0x1230] =	vst v23  }
0x8f: {  	s1 =	simm.s32 $0x0;
	s2 =	sadd.s32 s3, s30;
	[tilespmem:s0+$0x1240] =	vst v22  }
0x90: {  	[hbm4b:s2+s1] =	stream.linear.scatter [tilespmem:s20], [sflag:$0x4], $0x1000, $0x38;
	[tilespmem:$0x3200] =	vst v63  }
0x91: {  	_ =	swait.ge [sflag:s24], $0x1000  }
0x92: {  	[sflag:s24] =	ssyncset.done $0x0  }
0x93: {  	[sflag:s24] =	ssyncadd.s32 $0xFFFFF000  }
0x94: {  	v22 =	vld [tilespmem:s31+$0x210];
	_ =	sdelay $0x2  }
0x95: {  	s4 =	sand.u32 $0x800, s1;
	s2 =	sand.u32 $0x380, s1  }
0x96: {  	s4 =	sor.u32 s2, s4;
	s31 =	sor.u32 $0x10, s31  }
0x97: {  	v25 =	vld [tilespmem:s4+$0x2670];
	v23 =	vor.u32 s31, v1;
	vm1 =	vgt.f32 v22, $0.0e+00  }
0x98: {  	vm2 =	veq.s32 v23, v4;
	v22 =	vnsel vm1, $0x0, v22  }
0x99: {  	v26 =	vld [tilespmem:s4+$0x2660];
	v22 =	vsel vm2, $0x3F800000, v22  }
0x9a: {  	v27 =	vld [tilespmem:s4+$0x2630];
	v24 =	vmul.f32 v22, v5  }
0x9b: {  	v52 =	vld [tilespmem:s4+$0x2620];
	v22 =	vmov s1  }
0x9c: {  	v53 =	vld [tilespmem:s4+$0x2600];
	v23 =	vperm.xlane v24, v22;
	v22 =	vsub.f32 v21, v25  }
0x9d: {  	v54 =	vld [tilespmem:s4+$0x2250]  }
0x9e: {  	v55 =	vld [tilespmem:s4+$0x2270];
	v22 =	vmul.f32 v22, v23  }
0x9f: {  	v28 =	vld [tilespmem:s4+$0x2260]  }
0xa0: {  	v29 =	vsub.f32 v17, v27;
	v22 =	vadd.f32 v22, v25;
	v25 =	vld [tilespmem:s4+$0x2210]  }
0xa1: {  	v30 =	vld [tilespmem:s4+$0x2200];
	v31 =	vsub.f32 v20, v26  }
0xa2: {  	s15 =	simm.s32 $0x80;
	s17 =	simm.s32 $0x100;
	v56 =	vld [tilespmem:s4+$0x2640];
	v57 =	vsub.f32 v16, v52;
	v59 =	vsub.f32 v14, v53;
	v29 =	vmul.f32 v29, v23  }
0xa3: {  	s0 =	sand.u32 $0x380, s15;
	v33 =	vld [tilespmem:s4+$0x2650];
	v60 =	vsub.f32 v11, v54;
	v46 =	vsub.f32 v13, v55;
	s1 =	sand.u32 $0x800, s17;
	v61 =	vmul.f32 v31, v23  }
0xa4: {  	s0 =	sor.u32 s0, s1;
	v31 =	vld [tilespmem:s4+$0x2220];
	v44 =	vmul.f32 v59, v23;
	v27 =	vadd.f32 v29, v27;
	[tilespmem:s4+$0x2670] =	vst v22;
	v22 =	vsub.f32 v12, v28  }
0xa5: {  	v35 =	vmul.f32 v57, v23;
	v41 =	vadd.f32 v61, v26;
	v32 =	vld [tilespmem:s0+$0x2670];
	v43 =	vsub.f32 v7, v25  }
0xa6: {  	v62 =	vsub.f32 v6, v30;
	v40 =	vmul.f32 v60, v23;
	v29 =	vld [tilespmem:s4+$0x2610];
	[tilespmem:s4+$0x2630] =	vst v27;
	v58 =	vmul.f32 v22, v23  }
0xa7: {  	v26 =	vld [tilespmem:s4+$0x2240];
	v34 =	vadd.f32 v35, v52;
	v27 =	vsub.f32 v18, v56;
	[tilespmem:s4+$0x2660] =	vst v41;
	v43 =	vmul.f32 v43, v23  }
0xa8: {  	s18 =	simm.s32 $0x1;
	v46 =	vmul.f32 v46, v23;
	v40 =	vadd.f32 v40, v54;
	v35 =	vld [tilespmem:s0+$0x2630];
	v39 =	vadd.f32 v58, v28  }
0xa9: {  	v22 =	vmov s18;
	v63 =	vmul.f32 v27, v23;
	v27 =	vld [tilespmem:s0+$0x2660];
	[tilespmem:s4+$0x2620] =	vst v34;
	v25 =	vadd.f32 v43, v25  }
0xaa: {  	v44 =	vadd.f32 v44, v53;
	v22 =	vperm.xlane v24, v22;
	v28 =	vld [tilespmem:s4+$0x2230];
	v45 =	vsub.f32 v21, v32;
	[tilespmem:s4+$0x2260] =	vst v39  }
0xab: {  	v38 =	vmul.f32 v62, v23;
	v42 =	vadd.f32 v46, v55;
	v39 =	vsub.f32 v15, v29;
	v34 =	vld [tilespmem:s0+$0x2260];
	[tilespmem:s4+$0x2210] =	vst v25  }
0xac: {  	s15 =	simm.s32 $0x200;
	s2 =	simm.s32 $0x100;
	s1 =	simm.s32 $0x2;
	v41 =	vsub.f32 v8, v31;
	v37 =	vadd.f32 v63, v56;
	v36 =	vmul.f32 v45, v22;
	v25 =	vld [tilespmem:s0+$0x2620];
	[tilespmem:s4+$0x2600] =	vst v44  }
.LBB2_5:
0xad: {  	s17 =	sand.u32 $0x800, s15;
	s18 =	sand.u32 $0x380, s2;
	p0 =	sne.s32 s1, $0xF;
	v43 =	vld [tilespmem:s0+$0x2600];
	v44 =	vsub.f32 v10, v26;
	[tilespmem:s4+$0x2250] =	vst v40;
	v39 =	vmul.f32 v39, v23;
	v40 =	vsub.f32 v19, v33  }
0xae: {  	v32 =	vadd.f32 v36, v32;
	s17 =	sor.u32 s18, s17;
	v45 =	vld [tilespmem:s0+$0x2250];
	v46 =	vsub.f32 v20, v27;
	v36 =	vmul.f32 v41, v23;
	[tilespmem:s4+$0x2270] =	vst v42;
	s18 =	smov.u32 s1;
	s1 =	sadd.s32 $0x1, s1  }
0xaf: {  	v30 =	vadd.f32 v38, v30;
	v41 =	vld [tilespmem:s0+$0x2210];
	v42 =	vsub.f32 v17, v35;
	[tilespmem:s4+$0x2640] =	vst v37;
	v37 =	vmul.f32 v40, v23  }
0xb0: {  	v40 =	vsub.f32 v9, v28;
	v44 =	vmul.f32 v44, v23;
	v38 =	vsub.f32 v12, v34;
	v47 =	vld [tilespmem:s0+$0x2270];
	[tilespmem:s0+$0x2670] =	vst v32  }
0xb1: {  	v29 =	vadd.f32 v39, v29;
	v31 =	vadd.f32 v36, v31;
	v42 =	vmul.f32 v42, v22;
	v48 =	vld [tilespmem:s0+$0x2640];
	[tilespmem:s4+$0x2200] =	vst v30  }
0xb2: {  	v33 =	vadd.f32 v37, v33;
	v30 =	vld [tilespmem:s0+$0x2200];
	v36 =	vmul.f32 v38, v22;
	v38 =	vsub.f32 v16, v25  }
0xb3: {  	v40 =	vmul.f32 v40, v23;
	v39 =	vsub.f32 v14, v43;
	v32 =	vld [tilespmem:s17+$0x2670];
	v37 =	vsub.f32 v11, v45;
	[tilespmem:s4+$0x2220] =	vst v31  }
0xb4: {  	v23 =	vmovc v22;
	v31 =	vmov s18;
	v35 =	vadd.f32 v42, v35;
	v42 =	vmul.f32 v46, v22;
	[tilespmem:s4+$0x2650] =	vst v33  }
0xb5: {  	v28 =	vadd.f32 v40, v28;
	v22 =	vperm.xlane v24, v31;
	v33 =	vsub.f32 v7, v41;
	v31 =	vld [tilespmem:s0+$0x2220];
	[tilespmem:s4+$0x2610] =	vst v29  }
0xb6: {  	v26 =	vadd.f32 v44, v26;
	v39 =	vmul.f32 v39, v23;
	v29 =	vld [tilespmem:s0+$0x2610];
	[tilespmem:s0+$0x2630] =	vst v35;
	v35 =	vsub.f32 v18, v48  }
0xb7: {  	v34 =	vadd.f32 v36, v34;
	v27 =	vadd.f32 v42, v27;
	v40 =	vmul.f32 v33, v23;
	v33 =	vld [tilespmem:s0+$0x2650];
	[tilespmem:s4+$0x2230] =	vst v28  }
0xb8: {  	v38 =	vmul.f32 v38, v23;
	v42 =	vsub.f32 v13, v47;
	v36 =	vsub.f32 v21, v32;
	v28 =	vld [tilespmem:s0+$0x2230];
	[tilespmem:s4+$0x2240] =	vst v26;
	s4 =	smov.u32 s0;
	s0 =	smov.u32 s17  }
.Ltmp3:
0xb9: {  	v37 =	vmul.f32 v37, v23;
	v44 =	vsub.f32 v6, v30;
	v40 =	vadd.f32 v40, v41;
	v26 =	vld [tilespmem:s4+$0x2240];
	[tilespmem:s4+$0x2660] =	vst v27;
	(pc) =	sbr.rel @p0 .LBB2_5-.Ltmp3, $4  }
0xba: {  	v25 =	vadd.f32 v38, v25;
	v41 =	vmul.f32 v35, v23;
	v27 =	vld [tilespmem:s0+$0x2660];
	v36 =	vmul.f32 v36, v22;
	[tilespmem:s4+$0x2260] =	vst v34  }
0xbb: {  	v43 =	vadd.f32 v39, v43;
	v42 =	vmul.f32 v42, v23;
	v35 =	vld [tilespmem:s0+$0x2630];
	[tilespmem:s4+$0x2210] =	vst v40;
	v40 =	vadd.f32 v37, v45  }
0xbc: {  	v38 =	vmul.f32 v44, v23;
	v39 =	vsub.f32 v15, v29;
	v37 =	vadd.f32 v41, v48;
	v34 =	vld [tilespmem:s0+$0x2260];
	[tilespmem:s4+$0x2620] =	vst v25  }
0xbd: {  	s2 =	sadd.s32 $0x80, s2;
	s15 =	sadd.s32 $0x100, s15;
	v42 =	vadd.f32 v42, v47;
	v41 =	vsub.f32 v8, v31;
	v25 =	vld [tilespmem:s0+$0x2620];
	[tilespmem:s4+$0x2600] =	vst v43  }
0xbe: {  	v24 =	vsub.f32 v19, v33  }
0xbf: {  	[tilespmem:s4+$0x2250] =	vst v40;
	v30 =	vadd.f32 v38, v30;
	v32 =	vadd.f32 v36, v32;
	v36 =	vld [tilespmem:s0+$0x2210]  }
0xc0: {  	[tilespmem:s4+$0x2640] =	vst v37;
	v50 =	vsub.f32 v9, v28;
	v38 =	vld [tilespmem:s0+$0x2600];
	v39 =	vmul.f32 v39, v23;
	v53 =	vsub.f32 v10, v26  }
0xc1: {  	v40 =	vld [tilespmem:s0+$0x2250];
	v41 =	vmul.f32 v41, v23;
	[tilespmem:s4+$0x2270] =	vst v42;
	v55 =	vsub.f32 v20, v27;
	v24 =	vmul.f32 v24, v23  }
0xc2: {  	v51 =	vsub.f32 v17, v35;
	[tilespmem:s4+$0x2200] =	vst v30;
	v54 =	vmul.f32 v50, v23;
	v29 =	vadd.f32 v39, v29  }
0xc3: {  	v42 =	vld [tilespmem:s0+$0x2640];
	[tilespmem:s0+$0x2670] =	vst v32;
	v23 =	vmul.f32 v53, v23;
	v52 =	vadd.f32 v41, v31;
	v57 =	vsub.f32 v12, v34  }
0xc4: {  	v39 =	vld [tilespmem:s0+$0x2270];
	v60 =	vmul.f32 v55, v22;
	v24 =	vadd.f32 v24, v33;
	v58 =	vadd.f32 v54, v28;
	[tilespmem:s4+$0x2610] =	vst v29  }
0xc5: {  	v32 =	vld [tilespmem:s0+$0x2200];
	v56 =	vmul.f32 v51, v22;
	v41 =	vsub.f32 v16, v25;
	v23 =	vadd.f32 v23, v26;
	[tilespmem:s4+$0x2220] =	vst v52  }
0xc6: {  	v61 =	vsub.f32 v7, v36;
	v43 =	vld [tilespmem:s0+$0x2610];
	v44 =	vsub.f32 v14, v38;
	[tilespmem:s4+$0x2650] =	vst v24  }
0xc7: {  	v63 =	vmul.f32 v57, v22;
	v46 =	vadd.f32 v60, v27;
	v59 =	vadd.f32 v56, v35;
	v62 =	vld [tilespmem:s0+$0x2220];
	[tilespmem:s4+$0x2230] =	vst v58  }
0xc8: {  	v48 =	vsub.f32 v11, v40;
	v30 =	vmul.f32 v41, v22;
	v52 =	vsub.f32 v18, v42;
	v47 =	vld [tilespmem:s0+$0x2230];
	[tilespmem:s4+$0x2240] =	vst v23  }
0xc9: {  	v45 =	vmul.f32 v61, v22;
	v29 =	vadd.f32 v63, v34;
	v23 =	vmul.f32 v44, v22;
	[tilespmem:s0+$0x2660] =	vst v46  }
0xca: {  	v49 =	vld [tilespmem:s0+$0x2650];
	v50 =	vsub.f32 v13, v39;
	[tilespmem:s0+$0x2630] =	vst v59;
	v31 =	vmul.f32 v48, v22;
	v53 =	vadd.f32 v30, v25  }
0xcb: {  	v51 =	vld [tilespmem:s0+$0x2240];
	v54 =	vsub.f32 v6, v32;
	v55 =	vmul.f32 v52, v22;
	v26 =	vadd.f32 v45, v36;
	[tilespmem:s0+$0x2260] =	vst v29  }
0xcc: {  	v24 =	vmul.f32 v50, v22;
	v23 =	vadd.f32 v23, v38;
	v56 =	vadd.f32 v31, v40;
	[tilespmem:s0+$0x2620] =	vst v53  }
0xcd: {  	v29 =	vmul.f32 v54, v22;
	v58 =	vsub.f32 v15, v43;
	[tilespmem:s0+$0x2210] =	vst v26;
	v57 =	vsub.f32 v8, v62  }
0xce: {  	v24 =	vadd.f32 v24, v39;
	[tilespmem:s0+$0x2600] =	vst v23;
	v26 =	vadd.f32 v55, v42  }
0xcf: {  	v23 =	vsub.f32 v19, v49;
	[tilespmem:s0+$0x2250] =	vst v56;
	v59 =	vadd.f32 v29, v32;
	v30 =	vmul.f32 v58, v22  }
0xd0: {  	v60 =	vsub.f32 v9, v47;
	v25 =	vmul.f32 v57, v22;
	[tilespmem:s0+$0x2270] =	vst v24;
	v61 =	vsub.f32 v10, v51  }
0xd1: {  	[tilespmem:s0+$0x2640] =	vst v26;
	v23 =	vmul.f32 v23, v22;
	v63 =	vadd.f32 v30, v43  }
0xd2: {  	[tilespmem:s0+$0x2200] =	vst v59;
	v25 =	vadd.f32 v25, v62;
	v62 =	vmul.f32 v60, v22;
	v22 =	vmul.f32 v61, v22  }
0xd3: {  	v23 =	vadd.f32 v23, v49;
	[tilespmem:s0+$0x2610] =	vst v63  }
0xd4: {  	[tilespmem:s0+$0x2220] =	vst v25;
	v22 =	vadd.f32 v22, v51  }
0xd5: {  	[tilespmem:s0+$0x2650] =	vst v23;
	v23 =	vadd.f32 v62, v47  }
0xd6: {  	s1 =	sshll.u32 s31, $0x5;
	p0 =	seq.s32 s29, $0x3;
	[tilespmem:s0+$0x2240] =	vst v22  }
.Ltmp4:
0xd7: {  	s31 =	sadd.s32 s3, s1;
	[tilespmem:s0+$0x2230] =	vst v23;
	(pc) =	sbr.rel @p0 .LBB2_8-.Ltmp4, $4  }
0xd8: {  	[hbm4b:s31+s5] =	stream.linear.scatter [tilespmem:s21], [sflag:$0x5], $0x1000, $0x38;
	[tilespmem:$0x3200] =	vst v63  }
0xd9: {  	_ =	swait.ge [sflag:s25], $0x1000  }
0xda: {  	[sflag:s25] =	ssyncset.done $0x0  }
0xdb: {  	[sflag:s25] =	ssyncadd.s32 $0xFFFFF000  }
0xdc: {  	s0 =	sadd.s32 s30, s12  }
0xdd: {  	[tilespmem:s20], [sflag:$0x2] =	stream.linear.gather [hbm4b:s0+s5], $0x1000, $0x38;
	[tilespmem:$0x3200] =	vst v63  }
.Ltmp5:
0xde: {  	_ = 	snop;
	(pc) =	sbr.rel .LBB2_2-.Ltmp5, $4  }
0xdf: {  	_ =	swait.ge [sflag:s26], $0x1000  }
0xe0: {  	[sflag:s26] =	ssyncset.done $0x0  }
0xe1: {  	s31 =	sadd.s32 s30, s13;
	s29 =	sadd.s32 $0x1, s29;
	[sflag:s26] =	ssyncadd.s32 $0xFFFFF000  }
0xe2: {  	[tilespmem:s21], [sflag:$0x3] =	stream.linear.gather [hbm4b:s31+s5], $0x1000, $0x38;
	[tilespmem:$0x3200] =	vst v63  }
.LBB2_9:
0xe3: {  	_ =	sfence.sel $0x180000  }
0xe4: {  	[bflag:$0x0] =	sbarrier.arrive $0xFFFF  }
0xe5: {  	_ =	strace $0x90000047  }
0xe6: {  	s0 =	stileid.u32;
	[bflag:$0x2] =	sbarrier.arrive $0xFFFF  }
0xe7: {  	p0 =	sne.s32 s0, $0x0;
	s0 =	rddreg [dreg:$0x5]  }
0xe8: {  	s0 =	sadd.s32 @!p0 $0x100000, s0  }
0xe9: {  	[sflag:s0] =	ssyncadd.tile.s32 @!p0 $0x1;
	_ =	shalt  }
.Lfunc_end2:
_tile_overlayer_lowered:
.L_overlay_start_2:
0xea: {  	(tag) =	ssettag $0x2  }
0xeb: {  	s0 =	rddreg [dreg:$0x0];
	s2 =	stileid.u32  }
0xec: {  	s1 =	rddreg [dreg:$0x1];
	p0 =	sne.s32 s2, $0x0  }
0xed: {  	s3 =	rddreg [dreg:$0x2];
	[bflag:$0x3] =	sbarrier.arrive $0xFFFF;
	s2 =	simm.s32 @!p0 $0x1C06  }
0xee: {  	[timem:s3], [sflag:s2] =	dma.local @!p0 [hbm:s0], s1  }
0xef: {  	s0 =	simm.s32 @!p0 $0x6  }
0xf0: {  	_ =	swait.ge @!p0 [sflag:s0], s1  }
0xf1: {  	s1 =	ssub.s32 @!p0 $0x0, s1;
	[sflag:s0] =	ssyncset.done @!p0 $0x0  }
0xf2: {  	[sflag:s0] =	ssyncadd.s32 @!p0 s1  }
0xf3: {  	[bflag:$0x3] =	sbarrier.arrive $0xFFFF  }
0xf4: {  	_ =	shalt  }

</sc_bundles>
